<compile_context>
chip_gen: v7x
topology: tpu7x:2x2x1
jax: 0.10.2.dev20260603
libtpu: 0.0.44.dev20260713+nightly
codegen_flags: <defaults>
</compile_context>

<pallas_src>
import functools

import jax
import jax.numpy as jnp
from jax import lax
from jax.experimental import pallas as pl
from jax.experimental.pallas import tpu as pltpu
from jax.experimental.pallas import tpu_sc as plsc

PROMPT_LEN = 100
EMBED = 64
RPC = 2
NBUF = 4


def kernel(input, prompt_table, normal_table):
    B, S = input.shape
    assert S == 2 * PROMPT_LEN
    info = plsc.get_sparse_core_info()
    num_workers = info.num_cores * info.num_subcores
    rows_per_w = B // num_workers
    nchunks = rows_per_w // RPC

    mesh = plsc.VectorSubcoreMesh(core_axis_name="c", subcore_axis_name="s")

    @functools.partial(
        pl.kernel,
        out_type=jax.ShapeDtypeStruct((B * S, EMBED), jnp.float32),
        mesh=mesh,
        scratch_types=[
            pltpu.VMEM((rows_per_w, 2, PROMPT_LEN), jnp.int32),
            [pltpu.VMEM((RPC * S, EMBED), jnp.float32) for _ in range(NBUF)],
            [pltpu.SemaphoreType.DMA for _ in range(NBUF)],
            [pltpu.SemaphoreType.DMA for _ in range(NBUF)],
        ],
        compiler_params=pltpu.CompilerParams(use_tc_tiling_on_sc=False),
    )
    def emb(inp_hbm, ptab_hbm, ntab_hbm, out_hbm, idx_v, rows_v, gsems, ssems):
        wid = lax.axis_index("s") * info.num_cores + lax.axis_index("c")
        row0 = wid * rows_per_w
        out0 = row0 * S

        pltpu.sync_copy(inp_hbm.at[pl.ds(row0, rows_per_w)], idx_v)

        def fire_gathers(c, b):
            for r in range(RPC):
                row = c * RPC + r
                pltpu.async_copy(
                    ptab_hbm.at[idx_v.at[row, 0]],
                    rows_v[b].at[pl.ds(r * S, PROMPT_LEN)],
                    gsems[b],
                )
                pltpu.async_copy(
                    ntab_hbm.at[idx_v.at[row, 1]],
                    rows_v[b].at[pl.ds(r * S + PROMPT_LEN, PROMPT_LEN)],
                    gsems[b],
                )

        def wait_gathers(b):
            for r in range(RPC):
                pltpu.make_async_copy(
                    ptab_hbm.at[idx_v.at[0, 0]],
                    rows_v[b].at[pl.ds(r * S, PROMPT_LEN)],
                    gsems[b],
                ).wait()
                pltpu.make_async_copy(
                    ntab_hbm.at[idx_v.at[0, 1]],
                    rows_v[b].at[pl.ds(r * S + PROMPT_LEN, PROMPT_LEN)],
                    gsems[b],
                ).wait()

        def fire_store(c, b):
            pltpu.async_copy(
                rows_v[b], out_hbm.at[pl.ds(out0 + c * (RPC * S), RPC * S)], ssems[b]
            )

        def wait_store(b):
            pltpu.make_async_copy(
                rows_v[b], out_hbm.at[pl.ds(out0, RPC * S)], ssems[b]
            ).wait()

        for b in range(NBUF):
            fire_gathers(b, b)

        def body(g, carry):
            for b in range(NBUF):
                c = g * NBUF + b
                wait_gathers(b)
                fire_store(c, b)
            for b in range(NBUF):
                c = g * NBUF + b
                wait_store(b)
                fire_gathers(c + NBUF, b)
            return carry

        lax.fori_loop(0, nchunks // NBUF - 1, body, 0)

        for b in range(NBUF):
            c = nchunks - NBUF + b
            wait_gathers(b)
            fire_store(c, b)
        for b in range(NBUF):
            wait_store(b)

    inp3 = input.reshape(B, 2, PROMPT_LEN)
    out = emb(inp3, prompt_table, normal_table)
    return out.reshape(B, S, EMBED)

# --- scband reference (transcript-rebuilt; emitter-appended) ---
"""Pipeline reference for scband-prompt-embedding-51118700757758 (READ-ONLY COPY).

The authoritative reference and input builder live on the scoring server;
editing this copy changes nothing except your own understanding.
"""

import jax, jax.numpy as jnp
import numpy as np

PROMPT_LENGTH = 100
EMBED_DIM = 64
VOCAB = 100000
BATCH = 4096
SEQ = 200


def setup_inputs(seed: int = 0) -> dict:
    key = jax.random.key(seed)
    k1, k2, k3, k4 = jax.random.split(key, 4)
    # first PROMPT_LENGTH positions index into the prompt table (values < PROMPT_LENGTH),
    # the rest index into the normal vocab table (values < VOCAB)
    prompt_ids = jax.random.randint(k1, (BATCH, PROMPT_LENGTH), 0, PROMPT_LENGTH, dtype=jnp.int32)
    normal_ids = jax.random.randint(k2, (BATCH, SEQ - PROMPT_LENGTH), 0, VOCAB, dtype=jnp.int32)
    inp = jnp.concatenate([prompt_ids, normal_ids], axis=1)
    normal_table = jax.random.normal(k3, (VOCAB, EMBED_DIM), dtype=jnp.float32) * 0.02
    # prompt table is initialized from randomly sampled rows of the normal table
    sampled = jax.random.randint(k4, (PROMPT_LENGTH,), 0, VOCAB, dtype=jnp.int32)
    prompt_table = jnp.take(normal_table, sampled, axis=0)
    return {"input": inp, "prompt_table": prompt_table, "normal_table": normal_table}


def reference(input, prompt_table, normal_table):
    # split sequence: first prompt_length tokens -> prompt embedder, rest -> normal embedder
    prompt_input = input[:, :PROMPT_LENGTH]
    normal_input = input[:, PROMPT_LENGTH:]
    prompt_embedded = jnp.take(prompt_table, prompt_input, axis=0)
    normal_embedded = jnp.take(normal_table, normal_input, axis=0)
    return jnp.concatenate((prompt_embedded, normal_embedded), axis=1)

if __name__ == "__main__":
    import jax
    _d = setup_inputs()
    print(jax.jit(kernel)(*tuple(_d.values())))

</pallas_src>

<mosaic_0001>
#map = affine_map<(d0, d1) -> (0, 0, 0)>
#map1 = affine_map<(d0, d1) -> (0, 0)>
module attributes {stable_mosaic.version = 14 : i64} {
  func.func @emb(%arg0: i32, %arg1: i32, %arg2: memref<4096x2x100xi32, #tpu.memory_space<hbm>>, %arg3: memref<100x64xf32, #tpu.memory_space<hbm>>, %arg4: memref<100000x64xf32, #tpu.memory_space<hbm>>, %arg5: memref<819200x64xf32, #tpu.memory_space<hbm>>, %arg6: memref<128x2x100xi32, #tpu.memory_space<vmem>>, %arg7: memref<400x64xf32, #tpu.memory_space<vmem>>, %arg8: memref<400x64xf32, #tpu.memory_space<vmem>>, %arg9: memref<400x64xf32, #tpu.memory_space<vmem>>, %arg10: memref<400x64xf32, #tpu.memory_space<vmem>>, %arg11: memref<!tpu.dma_semaphore, #tpu.memory_space<semaphore_mem>>, %arg12: memref<!tpu.dma_semaphore, #tpu.memory_space<semaphore_mem>>, %arg13: memref<!tpu.dma_semaphore, #tpu.memory_space<semaphore_mem>>, %arg14: memref<!tpu.dma_semaphore, #tpu.memory_space<semaphore_mem>>, %arg15: memref<!tpu.dma_semaphore, #tpu.memory_space<semaphore_mem>>, %arg16: memref<!tpu.dma_semaphore, #tpu.memory_space<semaphore_mem>>, %arg17: memref<!tpu.dma_semaphore, #tpu.memory_space<semaphore_mem>>, %arg18: memref<!tpu.dma_semaphore, #tpu.memory_space<semaphore_mem>>) attributes {dimension_semantics = [#tpu.dimension_semantics<core_parallel>, #tpu.dimension_semantics<subcore_parallel>], iteration_bounds = array<i64: 2, 16>, scalar_prefetch = 0 : i64, scratch_operands = 13 : i64, tpu.core_type = #tpu.core_type<sc_vector_subcore>, window_params = [{transform_indices = #map}, {transform_indices = #map1}, {transform_indices = #map1}, {transform_indices = #map1}]} {
    %mul3A = arith.constant 2 : i32
    %mul3A_0 = arith.muli %arg1, %mul3A : i32
    %add3A = arith.addi %mul3A_0, %arg0 : i32
    %mul3A_1 = arith.constant 128 : i32
    %mul3A_2 = arith.muli %add3A, %mul3A_1 : i32
    %mul3A_3 = arith.constant 200 : i32
    %mul3A_4 = arith.muli %mul3A_2, %mul3A_3 : i32
    "tpu.region"() ({
      %run_scoped3A = tpu.sem_alloc : memref<!tpu.dma_semaphore, #tpu.memory_space<semaphore_mem>>
      %dma_start3A_400 = arith.constant 0 : i32
      %dma_start3A_401 = arith.constant 0 : i32
      %dma_start3A_402 = tpu.memref_slice %arg2[%mul3A_2, %dma_start3A_400, %dma_start3A_401] : memref<4096x2x100xi32, #tpu.memory_space<hbm>> -> memref<128x2x100xi32, #tpu.memory_space<hbm>>
      %dma_start3A_403 = arith.constant 0 : i32
      %dma_start3A_404 = arith.constant 0 : i32
      %dma_start3A_405 = tpu.memref_slice %arg2[%mul3A_2, %dma_start3A_403, %dma_start3A_404] : memref<4096x2x100xi32, #tpu.memory_space<hbm>> -> memref<128x2x100xi32, #tpu.memory_space<hbm>>
      tpu.enqueue_dma source(%dma_start3A_405 : memref<128x2x100xi32, #tpu.memory_space<hbm>>) target(%arg6 : memref<128x2x100xi32, #tpu.memory_space<vmem>>) target_semaphore(%run_scoped3A : memref<!tpu.dma_semaphore, #tpu.memory_space<semaphore_mem>>)
      %dma_wait3A_406 = arith.constant 0 : i32
      %dma_wait3A_407 = arith.constant 0 : i32
      %dma_wait3A_408 = tpu.memref_slice %arg2[%mul3A_2, %dma_wait3A_406, %dma_wait3A_407] : memref<4096x2x100xi32, #tpu.memory_space<hbm>> -> memref<128x2x100xi32, #tpu.memory_space<hbm>>
      %dma_wait3A_409 = arith.constant 0 : i32
      %dma_wait3A_410 = arith.constant 0 : i32
      %dma_wait3A_411 = tpu.memref_slice %arg2[%mul3A_2, %dma_wait3A_409, %dma_wait3A_410] : memref<4096x2x100xi32, #tpu.memory_space<hbm>> -> memref<128x2x100xi32, #tpu.memory_space<hbm>>
      tpu.wait_dma2 semaphore(%run_scoped3A : memref<!tpu.dma_semaphore, #tpu.memory_space<semaphore_mem>>) src(%dma_wait3A_411 : memref<128x2x100xi32, #tpu.memory_space<hbm>>) dst(%arg6 : memref<128x2x100xi32, #tpu.memory_space<vmem>>)
      tpu.yield
    }) : () -> ()
    %dma_start3A = arith.constant 0 : i32
    %dma_start3A_5 = arith.constant 0 : i32
    %dma_start3A_6 = arith.constant 0 : i32
    %dma_start3A_7 = arith.constant 0 : i32
    %dma_start3A_8 = tpu.memref_slice %arg7[%dma_start3A_6, %dma_start3A_7] : memref<400x64xf32, #tpu.memory_space<vmem>> -> memref<100x64xf32, #tpu.memory_space<vmem>>
    %dma_start3A_9 = arith.constant 0 : i32
    %dma_start3A_10 = tpu.memref_slice %arg6[%dma_start3A, %dma_start3A_5, %dma_start3A_9] : memref<128x2x100xi32, #tpu.memory_space<vmem>> -> memref<1x1x100xi32, #tpu.memory_space<vmem>>
    %dma_start3A_11 = tpu.memref_squeeze %dma_start3A_10 : memref<1x1x100xi32, #tpu.memory_space<vmem>> -> memref<100xi32, #tpu.memory_space<vmem>>
    %dma_start3A_12 = arith.constant 0 : i32
    %dma_start3A_13 = arith.constant 0 : i32
    %dma_start3A_14 = tpu.memref_slice %arg3[%dma_start3A_12, %dma_start3A_13] : memref<100x64xf32, #tpu.memory_space<hbm>> -> memref<100x64xf32, #tpu.memory_space<hbm>>
    tpu.enqueue_indirect_dma source(%dma_start3A_14 : memref<100x64xf32, #tpu.memory_space<hbm>>) target(%dma_start3A_8 : memref<100x64xf32, #tpu.memory_space<vmem>>) offsets(%dma_start3A_11 : memref<100xi32, #tpu.memory_space<vmem>>) semaphore(%arg11 : memref<!tpu.dma_semaphore, #tpu.memory_space<semaphore_mem>>)
    %dma_start3A_15 = arith.constant 0 : i32
    %dma_start3A_16 = arith.constant 1 : i32
    %dma_start3A_17 = arith.constant 100 : i32
    %dma_start3A_18 = arith.constant 0 : i32
    %dma_start3A_19 = tpu.memref_slice %arg7[%dma_start3A_17, %dma_start3A_18] : memref<400x64xf32, #tpu.memory_space<vmem>> -> memref<100x64xf32, #tpu.memory_space<vmem>>
    %dma_start3A_20 = arith.constant 0 : i32
    %dma_start3A_21 = tpu.memref_slice %arg6[%dma_start3A_15, %dma_start3A_16, %dma_start3A_20] : memref<128x2x100xi32, #tpu.memory_space<vmem>> -> memref<1x1x100xi32, #tpu.memory_space<vmem>>
    %dma_start3A_22 = tpu.memref_squeeze %dma_start3A_21 : memref<1x1x100xi32, #tpu.memory_space<vmem>> -> memref<100xi32, #tpu.memory_space<vmem>>
    %dma_start3A_23 = arith.constant 0 : i32
    %dma_start3A_24 = arith.constant 0 : i32
    %dma_start3A_25 = tpu.memref_slice %arg4[%dma_start3A_23, %dma_start3A_24] : memref<100000x64xf32, #tpu.memory_space<hbm>> -> memref<100000x64xf32, #tpu.memory_space<hbm>>
    tpu.enqueue_indirect_dma source(%dma_start3A_25 : memref<100000x64xf32, #tpu.memory_space<hbm>>) target(%dma_start3A_19 : memref<100x64xf32, #tpu.memory_space<vmem>>) offsets(%dma_start3A_22 : memref<100xi32, #tpu.memory_space<vmem>>) semaphore(%arg11 : memref<!tpu.dma_semaphore, #tpu.memory_space<semaphore_mem>>)
    %dma_start3A_26 = arith.constant 1 : i32
    %dma_start3A_27 = arith.constant 0 : i32
    %dma_start3A_28 = arith.constant 200 : i32
    %dma_start3A_29 = arith.constant 0 : i32
    %dma_start3A_30 = tpu.memref_slice %arg7[%dma_start3A_28, %dma_start3A_29] : memref<400x64xf32, #tpu.memory_space<vmem>> -> memref<100x64xf32, #tpu.memory_space<vmem>>
    %dma_start3A_31 = arith.constant 0 : i32
    %dma_start3A_32 = tpu.memref_slice %arg6[%dma_start3A_26, %dma_start3A_27, %dma_start3A_31] : memref<128x2x100xi32, #tpu.memory_space<vmem>> -> memref<1x1x100xi32, #tpu.memory_space<vmem>>
    %dma_start3A_33 = tpu.memref_squeeze %dma_start3A_32 : memref<1x1x100xi32, #tpu.memory_space<vmem>> -> memref<100xi32, #tpu.memory_space<vmem>>
    %dma_start3A_34 = arith.constant 0 : i32
    %dma_start3A_35 = arith.constant 0 : i32
    %dma_start3A_36 = tpu.memref_slice %arg3[%dma_start3A_34, %dma_start3A_35] : memref<100x64xf32, #tpu.memory_space<hbm>> -> memref<100x64xf32, #tpu.memory_space<hbm>>
    tpu.enqueue_indirect_dma source(%dma_start3A_36 : memref<100x64xf32, #tpu.memory_space<hbm>>) target(%dma_start3A_30 : memref<100x64xf32, #tpu.memory_space<vmem>>) offsets(%dma_start3A_33 : memref<100xi32, #tpu.memory_space<vmem>>) semaphore(%arg11 : memref<!tpu.dma_semaphore, #tpu.memory_space<semaphore_mem>>)
    %dma_start3A_37 = arith.constant 1 : i32
    %dma_start3A_38 = arith.constant 1 : i32
    %dma_start3A_39 = arith.constant 300 : i32
    %dma_start3A_40 = arith.constant 0 : i32
    %dma_start3A_41 = tpu.memref_slice %arg7[%dma_start3A_39, %dma_start3A_40] : memref<400x64xf32, #tpu.memory_space<vmem>> -> memref<100x64xf32, #tpu.memory_space<vmem>>
    %dma_start3A_42 = arith.constant 0 : i32
    %dma_start3A_43 = tpu.memref_slice %arg6[%dma_start3A_37, %dma_start3A_38, %dma_start3A_42] : memref<128x2x100xi32, #tpu.memory_space<vmem>> -> memref<1x1x100xi32, #tpu.memory_space<vmem>>
    %dma_start3A_44 = tpu.memref_squeeze %dma_start3A_43 : memref<1x1x100xi32, #tpu.memory_space<vmem>> -> memref<100xi32, #tpu.memory_space<vmem>>
    %dma_start3A_45 = arith.constant 0 : i32
    %dma_start3A_46 = arith.constant 0 : i32
    %dma_start3A_47 = tpu.memref_slice %arg4[%dma_start3A_45, %dma_start3A_46] : memref<100000x64xf32, #tpu.memory_space<hbm>> -> memref<100000x64xf32, #tpu.memory_space<hbm>>
    tpu.enqueue_indirect_dma source(%dma_start3A_47 : memref<100000x64xf32, #tpu.memory_space<hbm>>) target(%dma_start3A_41 : memref<100x64xf32, #tpu.memory_space<vmem>>) offsets(%dma_start3A_44 : memref<100xi32, #tpu.memory_space<vmem>>) semaphore(%arg11 : memref<!tpu.dma_semaphore, #tpu.memory_space<semaphore_mem>>)
    %dma_start3A_48 = arith.constant 2 : i32
    %dma_start3A_49 = arith.constant 0 : i32
    %dma_start3A_50 = arith.constant 0 : i32
    %dma_start3A_51 = arith.constant 0 : i32
    %dma_start3A_52 = tpu.memref_slice %arg8[%dma_start3A_50, %dma_start3A_51] : memref<400x64xf32, #tpu.memory_space<vmem>> -> memref<100x64xf32, #tpu.memory_space<vmem>>
    %dma_start3A_53 = arith.constant 0 : i32
    %dma_start3A_54 = tpu.memref_slice %arg6[%dma_start3A_48, %dma_start3A_49, %dma_start3A_53] : memref<128x2x100xi32, #tpu.memory_space<vmem>> -> memref<1x1x100xi32, #tpu.memory_space<vmem>>
    %dma_start3A_55 = tpu.memref_squeeze %dma_start3A_54 : memref<1x1x100xi32, #tpu.memory_space<vmem>> -> memref<100xi32, #tpu.memory_space<vmem>>
    %dma_start3A_56 = arith.constant 0 : i32
    %dma_start3A_57 = arith.constant 0 : i32
    %dma_start3A_58 = tpu.memref_slice %arg3[%dma_start3A_56, %dma_start3A_57] : memref<100x64xf32, #tpu.memory_space<hbm>> -> memref<100x64xf32, #tpu.memory_space<hbm>>
    tpu.enqueue_indirect_dma source(%dma_start3A_58 : memref<100x64xf32, #tpu.memory_space<hbm>>) target(%dma_start3A_52 : memref<100x64xf32, #tpu.memory_space<vmem>>) offsets(%dma_start3A_55 : memref<100xi32, #tpu.memory_space<vmem>>) semaphore(%arg12 : memref<!tpu.dma_semaphore, #tpu.memory_space<semaphore_mem>>)
    %dma_start3A_59 = arith.constant 2 : i32
    %dma_start3A_60 = arith.constant 1 : i32
    %dma_start3A_61 = arith.constant 100 : i32
    %dma_start3A_62 = arith.constant 0 : i32
    %dma_start3A_63 = tpu.memref_slice %arg8[%dma_start3A_61, %dma_start3A_62] : memref<400x64xf32, #tpu.memory_space<vmem>> -> memref<100x64xf32, #tpu.memory_space<vmem>>
    %dma_start3A_64 = arith.constant 0 : i32
    %dma_start3A_65 = tpu.memref_slice %arg6[%dma_start3A_59, %dma_start3A_60, %dma_start3A_64] : memref<128x2x100xi32, #tpu.memory_space<vmem>> -> memref<1x1x100xi32, #tpu.memory_space<vmem>>
    %dma_start3A_66 = tpu.memref_squeeze %dma_start3A_65 : memref<1x1x100xi32, #tpu.memory_space<vmem>> -> memref<100xi32, #tpu.memory_space<vmem>>
    %dma_start3A_67 = arith.constant 0 : i32
    %dma_start3A_68 = arith.constant 0 : i32
    %dma_start3A_69 = tpu.memref_slice %arg4[%dma_start3A_67, %dma_start3A_68] : memref<100000x64xf32, #tpu.memory_space<hbm>> -> memref<100000x64xf32, #tpu.memory_space<hbm>>
    tpu.enqueue_indirect_dma source(%dma_start3A_69 : memref<100000x64xf32, #tpu.memory_space<hbm>>) target(%dma_start3A_63 : memref<100x64xf32, #tpu.memory_space<vmem>>) offsets(%dma_start3A_66 : memref<100xi32, #tpu.memory_space<vmem>>) semaphore(%arg12 : memref<!tpu.dma_semaphore, #tpu.memory_space<semaphore_mem>>)
    %dma_start3A_70 = arith.constant 3 : i32
    %dma_start3A_71 = arith.constant 0 : i32
    %dma_start3A_72 = arith.constant 200 : i32
    %dma_start3A_73 = arith.constant 0 : i32
    %dma_start3A_74 = tpu.memref_slice %arg8[%dma_start3A_72, %dma_start3A_73] : memref<400x64xf32, #tpu.memory_space<vmem>> -> memref<100x64xf32, #tpu.memory_space<vmem>>
    %dma_start3A_75 = arith.constant 0 : i32
    %dma_start3A_76 = tpu.memref_slice %arg6[%dma_start3A_70, %dma_start3A_71, %dma_start3A_75] : memref<128x2x100xi32, #tpu.memory_space<vmem>> -> memref<1x1x100xi32, #tpu.memory_space<vmem>>
    %dma_start3A_77 = tpu.memref_squeeze %dma_start3A_76 : memref<1x1x100xi32, #tpu.memory_space<vmem>> -> memref<100xi32, #tpu.memory_space<vmem>>
    %dma_start3A_78 = arith.constant 0 : i32
    %dma_start3A_79 = arith.constant 0 : i32
    %dma_start3A_80 = tpu.memref_slice %arg3[%dma_start3A_78, %dma_start3A_79] : memref<100x64xf32, #tpu.memory_space<hbm>> -> memref<100x64xf32, #tpu.memory_space<hbm>>
    tpu.enqueue_indirect_dma source(%dma_start3A_80 : memref<100x64xf32, #tpu.memory_space<hbm>>) target(%dma_start3A_74 : memref<100x64xf32, #tpu.memory_space<vmem>>) offsets(%dma_start3A_77 : memref<100xi32, #tpu.memory_space<vmem>>) semaphore(%arg12 : memref<!tpu.dma_semaphore, #tpu.memory_space<semaphore_mem>>)
    %dma_start3A_81 = arith.constant 3 : i32
    %dma_start3A_82 = arith.constant 1 : i32
    %dma_start3A_83 = arith.constant 300 : i32
    %dma_start3A_84 = arith.constant 0 : i32
    %dma_start3A_85 = tpu.memref_slice %arg8[%dma_start3A_83, %dma_start3A_84] : memref<400x64xf32, #tpu.memory_space<vmem>> -> memref<100x64xf32, #tpu.memory_space<vmem>>
    %dma_start3A_86 = arith.constant 0 : i32
    %dma_start3A_87 = tpu.memref_slice %arg6[%dma_start3A_81, %dma_start3A_82, %dma_start3A_86] : memref<128x2x100xi32, #tpu.memory_space<vmem>> -> memref<1x1x100xi32, #tpu.memory_space<vmem>>
    %dma_start3A_88 = tpu.memref_squeeze %dma_start3A_87 : memref<1x1x100xi32, #tpu.memory_space<vmem>> -> memref<100xi32, #tpu.memory_space<vmem>>
    %dma_start3A_89 = arith.constant 0 : i32
    %dma_start3A_90 = arith.constant 0 : i32
    %dma_start3A_91 = tpu.memref_slice %arg4[%dma_start3A_89, %dma_start3A_90] : memref<100000x64xf32, #tpu.memory_space<hbm>> -> memref<100000x64xf32, #tpu.memory_space<hbm>>
    tpu.enqueue_indirect_dma source(%dma_start3A_91 : memref<100000x64xf32, #tpu.memory_space<hbm>>) target(%dma_start3A_85 : memref<100x64xf32, #tpu.memory_space<vmem>>) offsets(%dma_start3A_88 : memref<100xi32, #tpu.memory_space<vmem>>) semaphore(%arg12 : memref<!tpu.dma_semaphore, #tpu.memory_space<semaphore_mem>>)
    %dma_start3A_92 = arith.constant 4 : i32
    %dma_start3A_93 = arith.constant 0 : i32
    %dma_start3A_94 = arith.constant 0 : i32
    %dma_start3A_95 = arith.constant 0 : i32
    %dma_start3A_96 = tpu.memref_slice %arg9[%dma_start3A_94, %dma_start3A_95] : memref<400x64xf32, #tpu.memory_space<vmem>> -> memref<100x64xf32, #tpu.memory_space<vmem>>
    %dma_start3A_97 = arith.constant 0 : i32
    %dma_start3A_98 = tpu.memref_slice %arg6[%dma_start3A_92, %dma_start3A_93, %dma_start3A_97] : memref<128x2x100xi32, #tpu.memory_space<vmem>> -> memref<1x1x100xi32, #tpu.memory_space<vmem>>
    %dma_start3A_99 = tpu.memref_squeeze %dma_start3A_98 : memref<1x1x100xi32, #tpu.memory_space<vmem>> -> memref<100xi32, #tpu.memory_space<vmem>>
    %dma_start3A_100 = arith.constant 0 : i32
    %dma_start3A_101 = arith.constant 0 : i32
    %dma_start3A_102 = tpu.memref_slice %arg3[%dma_start3A_100, %dma_start3A_101] : memref<100x64xf32, #tpu.memory_space<hbm>> -> memref<100x64xf32, #tpu.memory_space<hbm>>
    tpu.enqueue_indirect_dma source(%dma_start3A_102 : memref<100x64xf32, #tpu.memory_space<hbm>>) target(%dma_start3A_96 : memref<100x64xf32, #tpu.memory_space<vmem>>) offsets(%dma_start3A_99 : memref<100xi32, #tpu.memory_space<vmem>>) semaphore(%arg13 : memref<!tpu.dma_semaphore, #tpu.memory_space<semaphore_mem>>)
    %dma_start3A_103 = arith.constant 4 : i32
    %dma_start3A_104 = arith.constant 1 : i32
    %dma_start3A_105 = arith.constant 100 : i32
    %dma_start3A_106 = arith.constant 0 : i32
    %dma_start3A_107 = tpu.memref_slice %arg9[%dma_start3A_105, %dma_start3A_106] : memref<400x64xf32, #tpu.memory_space<vmem>> -> memref<100x64xf32, #tpu.memory_space<vmem>>
    %dma_start3A_108 = arith.constant 0 : i32
    %dma_start3A_109 = tpu.memref_slice %arg6[%dma_start3A_103, %dma_start3A_104, %dma_start3A_108] : memref<128x2x100xi32, #tpu.memory_space<vmem>> -> memref<1x1x100xi32, #tpu.memory_space<vmem>>
    %dma_start3A_110 = tpu.memref_squeeze %dma_start3A_109 : memref<1x1x100xi32, #tpu.memory_space<vmem>> -> memref<100xi32, #tpu.memory_space<vmem>>
    %dma_start3A_111 = arith.constant 0 : i32
    %dma_start3A_112 = arith.constant 0 : i32
    %dma_start3A_113 = tpu.memref_slice %arg4[%dma_start3A_111, %dma_start3A_112] : memref<100000x64xf32, #tpu.memory_space<hbm>> -> memref<100000x64xf32, #tpu.memory_space<hbm>>
    tpu.enqueue_indirect_dma source(%dma_start3A_113 : memref<100000x64xf32, #tpu.memory_space<hbm>>) target(%dma_start3A_107 : memref<100x64xf32, #tpu.memory_space<vmem>>) offsets(%dma_start3A_110 : memref<100xi32, #tpu.memory_space<vmem>>) semaphore(%arg13 : memref<!tpu.dma_semaphore, #tpu.memory_space<semaphore_mem>>)
    %dma_start3A_114 = arith.constant 5 : i32
    %dma_start3A_115 = arith.constant 0 : i32
    %dma_start3A_116 = arith.constant 200 : i32
    %dma_start3A_117 = arith.constant 0 : i32
    %dma_start3A_118 = tpu.memref_slice %arg9[%dma_start3A_116, %dma_start3A_117] : memref<400x64xf32, #tpu.memory_space<vmem>> -> memref<100x64xf32, #tpu.memory_space<vmem>>
    %dma_start3A_119 = arith.constant 0 : i32
    %dma_start3A_120 = tpu.memref_slice %arg6[%dma_start3A_114, %dma_start3A_115, %dma_start3A_119] : memref<128x2x100xi32, #tpu.memory_space<vmem>> -> memref<1x1x100xi32, #tpu.memory_space<vmem>>
    %dma_start3A_121 = tpu.memref_squeeze %dma_start3A_120 : memref<1x1x100xi32, #tpu.memory_space<vmem>> -> memref<100xi32, #tpu.memory_space<vmem>>
    %dma_start3A_122 = arith.constant 0 : i32
    %dma_start3A_123 = arith.constant 0 : i32
    %dma_start3A_124 = tpu.memref_slice %arg3[%dma_start3A_122, %dma_start3A_123] : memref<100x64xf32, #tpu.memory_space<hbm>> -> memref<100x64xf32, #tpu.memory_space<hbm>>
    tpu.enqueue_indirect_dma source(%dma_start3A_124 : memref<100x64xf32, #tpu.memory_space<hbm>>) target(%dma_start3A_118 : memref<100x64xf32, #tpu.memory_space<vmem>>) offsets(%dma_start3A_121 : memref<100xi32, #tpu.memory_space<vmem>>) semaphore(%arg13 : memref<!tpu.dma_semaphore, #tpu.memory_space<semaphore_mem>>)
    %dma_start3A_125 = arith.constant 5 : i32
    %dma_start3A_126 = arith.constant 1 : i32
    %dma_start3A_127 = arith.constant 300 : i32
    %dma_start3A_128 = arith.constant 0 : i32
    %dma_start3A_129 = tpu.memref_slice %arg9[%dma_start3A_127, %dma_start3A_128] : memref<400x64xf32, #tpu.memory_space<vmem>> -> memref<100x64xf32, #tpu.memory_space<vmem>>
    %dma_start3A_130 = arith.constant 0 : i32
    %dma_start3A_131 = tpu.memref_slice %arg6[%dma_start3A_125, %dma_start3A_126, %dma_start3A_130] : memref<128x2x100xi32, #tpu.memory_space<vmem>> -> memref<1x1x100xi32, #tpu.memory_space<vmem>>
    %dma_start3A_132 = tpu.memref_squeeze %dma_start3A_131 : memref<1x1x100xi32, #tpu.memory_space<vmem>> -> memref<100xi32, #tpu.memory_space<vmem>>
    %dma_start3A_133 = arith.constant 0 : i32
    %dma_start3A_134 = arith.constant 0 : i32
    %dma_start3A_135 = tpu.memref_slice %arg4[%dma_start3A_133, %dma_start3A_134] : memref<100000x64xf32, #tpu.memory_space<hbm>> -> memref<100000x64xf32, #tpu.memory_space<hbm>>
    tpu.enqueue_indirect_dma source(%dma_start3A_135 : memref<100000x64xf32, #tpu.memory_space<hbm>>) target(%dma_start3A_129 : memref<100x64xf32, #tpu.memory_space<vmem>>) offsets(%dma_start3A_132 : memref<100xi32, #tpu.memory_space<vmem>>) semaphore(%arg13 : memref<!tpu.dma_semaphore, #tpu.memory_space<semaphore_mem>>)
    %dma_start3A_136 = arith.constant 6 : i32
    %dma_start3A_137 = arith.constant 0 : i32
    %dma_start3A_138 = arith.constant 0 : i32
    %dma_start3A_139 = arith.constant 0 : i32
    %dma_start3A_140 = tpu.memref_slice %arg10[%dma_start3A_138, %dma_start3A_139] : memref<400x64xf32, #tpu.memory_space<vmem>> -> memref<100x64xf32, #tpu.memory_space<vmem>>
    %dma_start3A_141 = arith.constant 0 : i32
    %dma_start3A_142 = tpu.memref_slice %arg6[%dma_start3A_136, %dma_start3A_137, %dma_start3A_141] : memref<128x2x100xi32, #tpu.memory_space<vmem>> -> memref<1x1x100xi32, #tpu.memory_space<vmem>>
    %dma_start3A_143 = tpu.memref_squeeze %dma_start3A_142 : memref<1x1x100xi32, #tpu.memory_space<vmem>> -> memref<100xi32, #tpu.memory_space<vmem>>
    %dma_start3A_144 = arith.constant 0 : i32
    %dma_start3A_145 = arith.constant 0 : i32
    %dma_start3A_146 = tpu.memref_slice %arg3[%dma_start3A_144, %dma_start3A_145] : memref<100x64xf32, #tpu.memory_space<hbm>> -> memref<100x64xf32, #tpu.memory_space<hbm>>
    tpu.enqueue_indirect_dma source(%dma_start3A_146 : memref<100x64xf32, #tpu.memory_space<hbm>>) target(%dma_start3A_140 : memref<100x64xf32, #tpu.memory_space<vmem>>) offsets(%dma_start3A_143 : memref<100xi32, #tpu.memory_space<vmem>>) semaphore(%arg14 : memref<!tpu.dma_semaphore, #tpu.memory_space<semaphore_mem>>)
    %dma_start3A_147 = arith.constant 6 : i32
    %dma_start3A_148 = arith.constant 1 : i32
    %dma_start3A_149 = arith.constant 100 : i32
    %dma_start3A_150 = arith.constant 0 : i32
    %dma_start3A_151 = tpu.memref_slice %arg10[%dma_start3A_149, %dma_start3A_150] : memref<400x64xf32, #tpu.memory_space<vmem>> -> memref<100x64xf32, #tpu.memory_space<vmem>>
    %dma_start3A_152 = arith.constant 0 : i32
    %dma_start3A_153 = tpu.memref_slice %arg6[%dma_start3A_147, %dma_start3A_148, %dma_start3A_152] : memref<128x2x100xi32, #tpu.memory_space<vmem>> -> memref<1x1x100xi32, #tpu.memory_space<vmem>>
    %dma_start3A_154 = tpu.memref_squeeze %dma_start3A_153 : memref<1x1x100xi32, #tpu.memory_space<vmem>> -> memref<100xi32, #tpu.memory_space<vmem>>
    %dma_start3A_155 = arith.constant 0 : i32
    %dma_start3A_156 = arith.constant 0 : i32
    %dma_start3A_157 = tpu.memref_slice %arg4[%dma_start3A_155, %dma_start3A_156] : memref<100000x64xf32, #tpu.memory_space<hbm>> -> memref<100000x64xf32, #tpu.memory_space<hbm>>
    tpu.enqueue_indirect_dma source(%dma_start3A_157 : memref<100000x64xf32, #tpu.memory_space<hbm>>) target(%dma_start3A_151 : memref<100x64xf32, #tpu.memory_space<vmem>>) offsets(%dma_start3A_154 : memref<100xi32, #tpu.memory_space<vmem>>) semaphore(%arg14 : memref<!tpu.dma_semaphore, #tpu.memory_space<semaphore_mem>>)
    %dma_start3A_158 = arith.constant 7 : i32
    %dma_start3A_159 = arith.constant 0 : i32
    %dma_start3A_160 = arith.constant 200 : i32
    %dma_start3A_161 = arith.constant 0 : i32
    %dma_start3A_162 = tpu.memref_slice %arg10[%dma_start3A_160, %dma_start3A_161] : memref<400x64xf32, #tpu.memory_space<vmem>> -> memref<100x64xf32, #tpu.memory_space<vmem>>
    %dma_start3A_163 = arith.constant 0 : i32
    %dma_start3A_164 = tpu.memref_slice %arg6[%dma_start3A_158, %dma_start3A_159, %dma_start3A_163] : memref<128x2x100xi32, #tpu.memory_space<vmem>> -> memref<1x1x100xi32, #tpu.memory_space<vmem>>
    %dma_start3A_165 = tpu.memref_squeeze %dma_start3A_164 : memref<1x1x100xi32, #tpu.memory_space<vmem>> -> memref<100xi32, #tpu.memory_space<vmem>>
    %dma_start3A_166 = arith.constant 0 : i32
    %dma_start3A_167 = arith.constant 0 : i32
    %dma_start3A_168 = tpu.memref_slice %arg3[%dma_start3A_166, %dma_start3A_167] : memref<100x64xf32, #tpu.memory_space<hbm>> -> memref<100x64xf32, #tpu.memory_space<hbm>>
    tpu.enqueue_indirect_dma source(%dma_start3A_168 : memref<100x64xf32, #tpu.memory_space<hbm>>) target(%dma_start3A_162 : memref<100x64xf32, #tpu.memory_space<vmem>>) offsets(%dma_start3A_165 : memref<100xi32, #tpu.memory_space<vmem>>) semaphore(%arg14 : memref<!tpu.dma_semaphore, #tpu.memory_space<semaphore_mem>>)
    %dma_start3A_169 = arith.constant 7 : i32
    %dma_start3A_170 = arith.constant 1 : i32
    %dma_start3A_171 = arith.constant 300 : i32
    %dma_start3A_172 = arith.constant 0 : i32
    %dma_start3A_173 = tpu.memref_slice %arg10[%dma_start3A_171, %dma_start3A_172] : memref<400x64xf32, #tpu.memory_space<vmem>> -> memref<100x64xf32, #tpu.memory_space<vmem>>
    %dma_start3A_174 = arith.constant 0 : i32
    %dma_start3A_175 = tpu.memref_slice %arg6[%dma_start3A_169, %dma_start3A_170, %dma_start3A_174] : memref<128x2x100xi32, #tpu.memory_space<vmem>> -> memref<1x1x100xi32, #tpu.memory_space<vmem>>
    %dma_start3A_176 = tpu.memref_squeeze %dma_start3A_175 : memref<1x1x100xi32, #tpu.memory_space<vmem>> -> memref<100xi32, #tpu.memory_space<vmem>>
    %dma_start3A_177 = arith.constant 0 : i32
    %dma_start3A_178 = arith.constant 0 : i32
    %dma_start3A_179 = tpu.memref_slice %arg4[%dma_start3A_177, %dma_start3A_178] : memref<100000x64xf32, #tpu.memory_space<hbm>> -> memref<100000x64xf32, #tpu.memory_space<hbm>>
    tpu.enqueue_indirect_dma source(%dma_start3A_179 : memref<100000x64xf32, #tpu.memory_space<hbm>>) target(%dma_start3A_173 : memref<100x64xf32, #tpu.memory_space<vmem>>) offsets(%dma_start3A_176 : memref<100xi32, #tpu.memory_space<vmem>>) semaphore(%arg14 : memref<!tpu.dma_semaphore, #tpu.memory_space<semaphore_mem>>)
    %scan3A = arith.constant 0 : i32
    %scan3A_180 = arith.constant 0 : i32
    %scan3A_181 = arith.constant 15 : i32
    %scan3A_182 = arith.addi %scan3A_180, %scan3A_181 : i32
    %scan3A_183 = arith.constant 1 : i32
    scf.for %scan3A_400 = %scan3A_180 to %scan3A_182 step %scan3A_183  : i32 {
      %mul3A_401 = arith.constant 4 : i32
      %mul3A_402 = arith.muli %scan3A_400, %mul3A_401 : i32
      %add3A_403 = arith.constant 0 : i32
      %add3A_404 = arith.addi %mul3A_402, %add3A_403 : i32
      %dma_wait3A_405 = arith.constant 0 : i32
      %dma_wait3A_406 = arith.constant 0 : i32
      %dma_wait3A_407 = arith.constant 0 : i32
      %dma_wait3A_408 = arith.constant 0 : i32
      %dma_wait3A_409 = tpu.memref_slice %arg7[%dma_wait3A_407, %dma_wait3A_408] : memref<400x64xf32, #tpu.memory_space<vmem>> -> memref<100x64xf32, #tpu.memory_space<vmem>>
      %dma_wait3A_410 = arith.constant 0 : i32
      %dma_wait3A_411 = tpu.memref_slice %arg6[%dma_wait3A_405, %dma_wait3A_406, %dma_wait3A_410] : memref<128x2x100xi32, #tpu.memory_space<vmem>> -> memref<1x1x100xi32, #tpu.memory_space<vmem>>
      %dma_wait3A_412 = tpu.memref_squeeze %dma_wait3A_411 : memref<1x1x100xi32, #tpu.memory_space<vmem>> -> memref<100xi32, #tpu.memory_space<vmem>>
      %dma_wait3A_413 = arith.constant 0 : i32
      %dma_wait3A_414 = arith.constant 0 : i32
      %dma_wait3A_415 = tpu.memref_slice %arg3[%dma_wait3A_413, %dma_wait3A_414] : memref<100x64xf32, #tpu.memory_space<hbm>> -> memref<100x64xf32, #tpu.memory_space<hbm>>
      tpu.wait_indirect_dma semaphore(%arg11 : memref<!tpu.dma_semaphore, #tpu.memory_space<semaphore_mem>>) src(%dma_wait3A_415 : memref<100x64xf32, #tpu.memory_space<hbm>>) dst(%dma_wait3A_409 : memref<100x64xf32, #tpu.memory_space<vmem>>)
      %dma_wait3A_416 = arith.constant 0 : i32
      %dma_wait3A_417 = arith.constant 1 : i32
      %dma_wait3A_418 = arith.constant 100 : i32
      %dma_wait3A_419 = arith.constant 0 : i32
      %dma_wait3A_420 = tpu.memref_slice %arg7[%dma_wait3A_418, %dma_wait3A_419] : memref<400x64xf32, #tpu.memory_space<vmem>> -> memref<100x64xf32, #tpu.memory_space<vmem>>
      %dma_wait3A_421 = arith.constant 0 : i32
      %dma_wait3A_422 = tpu.memref_slice %arg6[%dma_wait3A_416, %dma_wait3A_417, %dma_wait3A_421] : memref<128x2x100xi32, #tpu.memory_space<vmem>> -> memref<1x1x100xi32, #tpu.memory_space<vmem>>
      %dma_wait3A_423 = tpu.memref_squeeze %dma_wait3A_422 : memref<1x1x100xi32, #tpu.memory_space<vmem>> -> memref<100xi32, #tpu.memory_space<vmem>>
      %dma_wait3A_424 = arith.constant 0 : i32
      %dma_wait3A_425 = arith.constant 0 : i32
      %dma_wait3A_426 = tpu.memref_slice %arg4[%dma_wait3A_424, %dma_wait3A_425] : memref<100000x64xf32, #tpu.memory_space<hbm>> -> memref<100000x64xf32, #tpu.memory_space<hbm>>
      tpu.wait_indirect_dma semaphore(%arg11 : memref<!tpu.dma_semaphore, #tpu.memory_space<semaphore_mem>>) src(%dma_wait3A_426 : memref<100000x64xf32, #tpu.memory_space<hbm>>) dst(%dma_wait3A_420 : memref<100x64xf32, #tpu.memory_space<vmem>>)
      %dma_wait3A_427 = arith.constant 0 : i32
      %dma_wait3A_428 = arith.constant 0 : i32
      %dma_wait3A_429 = arith.constant 200 : i32
      %dma_wait3A_430 = arith.constant 0 : i32
      %dma_wait3A_431 = tpu.memref_slice %arg7[%dma_wait3A_429, %dma_wait3A_430] : memref<400x64xf32, #tpu.memory_space<vmem>> -> memref<100x64xf32, #tpu.memory_space<vmem>>
      %dma_wait3A_432 = arith.constant 0 : i32
      %dma_wait3A_433 = tpu.memref_slice %arg6[%dma_wait3A_427, %dma_wait3A_428, %dma_wait3A_432] : memref<128x2x100xi32, #tpu.memory_space<vmem>> -> memref<1x1x100xi32, #tpu.memory_space<vmem>>
      %dma_wait3A_434 = tpu.memref_squeeze %dma_wait3A_433 : memref<1x1x100xi32, #tpu.memory_space<vmem>> -> memref<100xi32, #tpu.memory_space<vmem>>
      %dma_wait3A_435 = arith.constant 0 : i32
      %dma_wait3A_436 = arith.constant 0 : i32
      %dma_wait3A_437 = tpu.memref_slice %arg3[%dma_wait3A_435, %dma_wait3A_436] : memref<100x64xf32, #tpu.memory_space<hbm>> -> memref<100x64xf32, #tpu.memory_space<hbm>>
      tpu.wait_indirect_dma semaphore(%arg11 : memref<!tpu.dma_semaphore, #tpu.memory_space<semaphore_mem>>) src(%dma_wait3A_437 : memref<100x64xf32, #tpu.memory_space<hbm>>) dst(%dma_wait3A_431 : memref<100x64xf32, #tpu.memory_space<vmem>>)
      %dma_wait3A_438 = arith.constant 0 : i32
      %dma_wait3A_439 = arith.constant 1 : i32
      %dma_wait3A_440 = arith.constant 300 : i32
      %dma_wait3A_441 = arith.constant 0 : i32
      %dma_wait3A_442 = tpu.memref_slice %arg7[%dma_wait3A_440, %dma_wait3A_441] : memref<400x64xf32, #tpu.memory_space<vmem>> -> memref<100x64xf32, #tpu.memory_space<vmem>>
      %dma_wait3A_443 = arith.constant 0 : i32
      %dma_wait3A_444 = tpu.memref_slice %arg6[%dma_wait3A_438, %dma_wait3A_439, %dma_wait3A_443] : memref<128x2x100xi32, #tpu.memory_space<vmem>> -> memref<1x1x100xi32, #tpu.memory_space<vmem>>
      %dma_wait3A_445 = tpu.memref_squeeze %dma_wait3A_444 : memref<1x1x100xi32, #tpu.memory_space<vmem>> -> memref<100xi32, #tpu.memory_space<vmem>>
      %dma_wait3A_446 = arith.constant 0 : i32
      %dma_wait3A_447 = arith.constant 0 : i32
      %dma_wait3A_448 = tpu.memref_slice %arg4[%dma_wait3A_446, %dma_wait3A_447] : memref<100000x64xf32, #tpu.memory_space<hbm>> -> memref<100000x64xf32, #tpu.memory_space<hbm>>
      tpu.wait_indirect_dma semaphore(%arg11 : memref<!tpu.dma_semaphore, #tpu.memory_space<semaphore_mem>>) src(%dma_wait3A_448 : memref<100000x64xf32, #tpu.memory_space<hbm>>) dst(%dma_wait3A_442 : memref<100x64xf32, #tpu.memory_space<vmem>>)
      %mul3A_449 = arith.constant 400 : i32
      %mul3A_450 = arith.muli %add3A_404, %mul3A_449 : i32
      %add3A_451 = arith.addi %mul3A_4, %mul3A_450 : i32
      %dma_start3A_452 = arith.constant 0 : i32
      %dma_start3A_453 = tpu.memref_slice %arg5[%add3A_451, %dma_start3A_452] : memref<819200x64xf32, #tpu.memory_space<hbm>> -> memref<400x64xf32, #tpu.memory_space<hbm>>
      %dma_start3A_454 = arith.constant 0 : i32
      %dma_start3A_455 = tpu.memref_slice %arg5[%add3A_451, %dma_start3A_454] : memref<819200x64xf32, #tpu.memory_space<hbm>> -> memref<400x64xf32, #tpu.memory_space<hbm>>
      tpu.enqueue_dma source(%arg7 : memref<400x64xf32, #tpu.memory_space<vmem>>) target(%dma_start3A_455 : memref<400x64xf32, #tpu.memory_space<hbm>>) target_semaphore(%arg15 : memref<!tpu.dma_semaphore, #tpu.memory_space<semaphore_mem>>)
      %mul3A_456 = arith.constant 4 : i32
      %mul3A_457 = arith.muli %scan3A_400, %mul3A_456 : i32
      %add3A_458 = arith.constant 1 : i32
      %add3A_459 = arith.addi %mul3A_457, %add3A_458 : i32
      %dma_wait3A_460 = arith.constant 0 : i32
      %dma_wait3A_461 = arith.constant 0 : i32
      %dma_wait3A_462 = arith.constant 0 : i32
      %dma_wait3A_463 = arith.constant 0 : i32
      %dma_wait3A_464 = tpu.memref_slice %arg8[%dma_wait3A_462, %dma_wait3A_463] : memref<400x64xf32, #tpu.memory_space<vmem>> -> memref<100x64xf32, #tpu.memory_space<vmem>>
      %dma_wait3A_465 = arith.constant 0 : i32
      %dma_wait3A_466 = tpu.memref_slice %arg6[%dma_wait3A_460, %dma_wait3A_461, %dma_wait3A_465] : memref<128x2x100xi32, #tpu.memory_space<vmem>> -> memref<1x1x100xi32, #tpu.memory_space<vmem>>
      %dma_wait3A_467 = tpu.memref_squeeze %dma_wait3A_466 : memref<1x1x100xi32, #tpu.memory_space<vmem>> -> memref<100xi32, #tpu.memory_space<vmem>>
      %dma_wait3A_468 = arith.constant 0 : i32
      %dma_wait3A_469 = arith.constant 0 : i32
      %dma_wait3A_470 = tpu.memref_slice %arg3[%dma_wait3A_468, %dma_wait3A_469] : memref<100x64xf32, #tpu.memory_space<hbm>> -> memref<100x64xf32, #tpu.memory_space<hbm>>
      tpu.wait_indirect_dma semaphore(%arg12 : memref<!tpu.dma_semaphore, #tpu.memory_space<semaphore_mem>>) src(%dma_wait3A_470 : memref<100x64xf32, #tpu.memory_space<hbm>>) dst(%dma_wait3A_464 : memref<100x64xf32, #tpu.memory_space<vmem>>)
      %dma_wait3A_471 = arith.constant 0 : i32
      %dma_wait3A_472 = arith.constant 1 : i32
      %dma_wait3A_473 = arith.constant 100 : i32
      %dma_wait3A_474 = arith.constant 0 : i32
      %dma_wait3A_475 = tpu.memref_slice %arg8[%dma_wait3A_473, %dma_wait3A_474] : memref<400x64xf32, #tpu.memory_space<vmem>> -> memref<100x64xf32, #tpu.memory_space<vmem>>
      %dma_wait3A_476 = arith.constant 0 : i32
      %dma_wait3A_477 = tpu.memref_slice %arg6[%dma_wait3A_471, %dma_wait3A_472, %dma_wait3A_476] : memref<128x2x100xi32, #tpu.memory_space<vmem>> -> memref<1x1x100xi32, #tpu.memory_space<vmem>>
      %dma_wait3A_478 = tpu.memref_squeeze %dma_wait3A_477 : memref<1x1x100xi32, #tpu.memory_space<vmem>> -> memref<100xi32, #tpu.memory_space<vmem>>
      %dma_wait3A_479 = arith.constant 0 : i32
      %dma_wait3A_480 = arith.constant 0 : i32
      %dma_wait3A_481 = tpu.memref_slice %arg4[%dma_wait3A_479, %dma_wait3A_480] : memref<100000x64xf32, #tpu.memory_space<hbm>> -> memref<100000x64xf32, #tpu.memory_space<hbm>>
      tpu.wait_indirect_dma semaphore(%arg12 : memref<!tpu.dma_semaphore, #tpu.memory_space<semaphore_mem>>) src(%dma_wait3A_481 : memref<100000x64xf32, #tpu.memory_space<hbm>>) dst(%dma_wait3A_475 : memref<100x64xf32, #tpu.memory_space<vmem>>)
      %dma_wait3A_482 = arith.constant 0 : i32
      %dma_wait3A_483 = arith.constant 0 : i32
      %dma_wait3A_484 = arith.constant 200 : i32
      %dma_wait3A_485 = arith.constant 0 : i32
      %dma_wait3A_486 = tpu.memref_slice %arg8[%dma_wait3A_484, %dma_wait3A_485] : memref<400x64xf32, #tpu.memory_space<vmem>> -> memref<100x64xf32, #tpu.memory_space<vmem>>
      %dma_wait3A_487 = arith.constant 0 : i32
      %dma_wait3A_488 = tpu.memref_slice %arg6[%dma_wait3A_482, %dma_wait3A_483, %dma_wait3A_487] : memref<128x2x100xi32, #tpu.memory_space<vmem>> -> memref<1x1x100xi32, #tpu.memory_space<vmem>>
      %dma_wait3A_489 = tpu.memref_squeeze %dma_wait3A_488 : memref<1x1x100xi32, #tpu.memory_space<vmem>> -> memref<100xi32, #tpu.memory_space<vmem>>
      %dma_wait3A_490 = arith.constant 0 : i32
      %dma_wait3A_491 = arith.constant 0 : i32
      %dma_wait3A_492 = tpu.memref_slice %arg3[%dma_wait3A_490, %dma_wait3A_491] : memref<100x64xf32, #tpu.memory_space<hbm>> -> memref<100x64xf32, #tpu.memory_space<hbm>>
      tpu.wait_indirect_dma semaphore(%arg12 : memref<!tpu.dma_semaphore, #tpu.memory_space<semaphore_mem>>) src(%dma_wait3A_492 : memref<100x64xf32, #tpu.memory_space<hbm>>) dst(%dma_wait3A_486 : memref<100x64xf32, #tpu.memory_space<vmem>>)
      %dma_wait3A_493 = arith.constant 0 : i32
      %dma_wait3A_494 = arith.constant 1 : i32
      %dma_wait3A_495 = arith.constant 300 : i32
      %dma_wait3A_496 = arith.constant 0 : i32
      %dma_wait3A_497 = tpu.memref_slice %arg8[%dma_wait3A_495, %dma_wait3A_496] : memref<400x64xf32, #tpu.memory_space<vmem>> -> memref<100x64xf32, #tpu.memory_space<vmem>>
      %dma_wait3A_498 = arith.constant 0 : i32
      %dma_wait3A_499 = tpu.memref_slice %arg6[%dma_wait3A_493, %dma_wait3A_494, %dma_wait3A_498] : memref<128x2x100xi32, #tpu.memory_space<vmem>> -> memref<1x1x100xi32, #tpu.memory_space<vmem>>
      %dma_wait3A_500 = tpu.memref_squeeze %dma_wait3A_499 : memref<1x1x100xi32, #tpu.memory_space<vmem>> -> memref<100xi32, #tpu.memory_space<vmem>>
      %dma_wait3A_501 = arith.constant 0 : i32
      %dma_wait3A_502 = arith.constant 0 : i32
      %dma_wait3A_503 = tpu.memref_slice %arg4[%dma_wait3A_501, %dma_wait3A_502] : memref<100000x64xf32, #tpu.memory_space<hbm>> -> memref<100000x64xf32, #tpu.memory_space<hbm>>
      tpu.wait_indirect_dma semaphore(%arg12 : memref<!tpu.dma_semaphore, #tpu.memory_space<semaphore_mem>>) src(%dma_wait3A_503 : memref<100000x64xf32, #tpu.memory_space<hbm>>) dst(%dma_wait3A_497 : memref<100x64xf32, #tpu.memory_space<vmem>>)
      %mul3A_504 = arith.constant 400 : i32
      %mul3A_505 = arith.muli %add3A_459, %mul3A_504 : i32
      %add3A_506 = arith.addi %mul3A_4, %mul3A_505 : i32
      %dma_start3A_507 = arith.constant 0 : i32
      %dma_start3A_508 = tpu.memref_slice %arg5[%add3A_506, %dma_start3A_507] : memref<819200x64xf32, #tpu.memory_space<hbm>> -> memref<400x64xf32, #tpu.memory_space<hbm>>
      %dma_start3A_509 = arith.constant 0 : i32
      %dma_start3A_510 = tpu.memref_slice %arg5[%add3A_506, %dma_start3A_509] : memref<819200x64xf32, #tpu.memory_space<hbm>> -> memref<400x64xf32, #tpu.memory_space<hbm>>
      tpu.enqueue_dma source(%arg8 : memref<400x64xf32, #tpu.memory_space<vmem>>) target(%dma_start3A_510 : memref<400x64xf32, #tpu.memory_space<hbm>>) target_semaphore(%arg16 : memref<!tpu.dma_semaphore, #tpu.memory_space<semaphore_mem>>)
      %mul3A_511 = arith.constant 4 : i32
      %mul3A_512 = arith.muli %scan3A_400, %mul3A_511 : i32
      %add3A_513 = arith.constant 2 : i32
      %add3A_514 = arith.addi %mul3A_512, %add3A_513 : i32
      %dma_wait3A_515 = arith.constant 0 : i32
      %dma_wait3A_516 = arith.constant 0 : i32
      %dma_wait3A_517 = arith.constant 0 : i32
      %dma_wait3A_518 = arith.constant 0 : i32
      %dma_wait3A_519 = tpu.memref_slice %arg9[%dma_wait3A_517, %dma_wait3A_518] : memref<400x64xf32, #tpu.memory_space<vmem>> -> memref<100x64xf32, #tpu.memory_space<vmem>>
      %dma_wait3A_520 = arith.constant 0 : i32
      %dma_wait3A_521 = tpu.memref_slice %arg6[%dma_wait3A_515, %dma_wait3A_516, %dma_wait3A_520] : memref<128x2x100xi32, #tpu.memory_space<vmem>> -> memref<1x1x100xi32, #tpu.memory_space<vmem>>
      %dma_wait3A_522 = tpu.memref_squeeze %dma_wait3A_521 : memref<1x1x100xi32, #tpu.memory_space<vmem>> -> memref<100xi32, #tpu.memory_space<vmem>>
      %dma_wait3A_523 = arith.constant 0 : i32
      %dma_wait3A_524 = arith.constant 0 : i32
      %dma_wait3A_525 = tpu.memref_slice %arg3[%dma_wait3A_523, %dma_wait3A_524] : memref<100x64xf32, #tpu.memory_space<hbm>> -> memref<100x64xf32, #tpu.memory_space<hbm>>
      tpu.wait_indirect_dma semaphore(%arg13 : memref<!tpu.dma_semaphore, #tpu.memory_space<semaphore_mem>>) src(%dma_wait3A_525 : memref<100x64xf32, #tpu.memory_space<hbm>>) dst(%dma_wait3A_519 : memref<100x64xf32, #tpu.memory_space<vmem>>)
      %dma_wait3A_526 = arith.constant 0 : i32
      %dma_wait3A_527 = arith.constant 1 : i32
      %dma_wait3A_528 = arith.constant 100 : i32
      %dma_wait3A_529 = arith.constant 0 : i32
      %dma_wait3A_530 = tpu.memref_slice %arg9[%dma_wait3A_528, %dma_wait3A_529] : memref<400x64xf32, #tpu.memory_space<vmem>> -> memref<100x64xf32, #tpu.memory_space<vmem>>
      %dma_wait3A_531 = arith.constant 0 : i32
      %dma_wait3A_532 = tpu.memref_slice %arg6[%dma_wait3A_526, %dma_wait3A_527, %dma_wait3A_531] : memref<128x2x100xi32, #tpu.memory_space<vmem>> -> memref<1x1x100xi32, #tpu.memory_space<vmem>>
      %dma_wait3A_533 = tpu.memref_squeeze %dma_wait3A_532 : memref<1x1x100xi32, #tpu.memory_space<vmem>> -> memref<100xi32, #tpu.memory_space<vmem>>
      %dma_wait3A_534 = arith.constant 0 : i32
      %dma_wait3A_535 = arith.constant 0 : i32
      %dma_wait3A_536 = tpu.memref_slice %arg4[%dma_wait3A_534, %dma_wait3A_535] : memref<100000x64xf32, #tpu.memory_space<hbm>> -> memref<100000x64xf32, #tpu.memory_space<hbm>>
      tpu.wait_indirect_dma semaphore(%arg13 : memref<!tpu.dma_semaphore, #tpu.memory_space<semaphore_mem>>) src(%dma_wait3A_536 : memref<100000x64xf32, #tpu.memory_space<hbm>>) dst(%dma_wait3A_530 : memref<100x64xf32, #tpu.memory_space<vmem>>)
      %dma_wait3A_537 = arith.constant 0 : i32
      %dma_wait3A_538 = arith.constant 0 : i32
      %dma_wait3A_539 = arith.constant 200 : i32
      %dma_wait3A_540 = arith.constant 0 : i32
      %dma_wait3A_541 = tpu.memref_slice %arg9[%dma_wait3A_539, %dma_wait3A_540] : memref<400x64xf32, #tpu.memory_space<vmem>> -> memref<100x64xf32, #tpu.memory_space<vmem>>
      %dma_wait3A_542 = arith.constant 0 : i32
      %dma_wait3A_543 = tpu.memref_slice %arg6[%dma_wait3A_537, %dma_wait3A_538, %dma_wait3A_542] : memref<128x2x100xi32, #tpu.memory_space<vmem>> -> memref<1x1x100xi32, #tpu.memory_space<vmem>>
      %dma_wait3A_544 = tpu.memref_squeeze %dma_wait3A_543 : memref<1x1x100xi32, #tpu.memory_space<vmem>> -> memref<100xi32, #tpu.memory_space<vmem>>
      %dma_wait3A_545 = arith.constant 0 : i32
      %dma_wait3A_546 = arith.constant 0 : i32
      %dma_wait3A_547 = tpu.memref_slice %arg3[%dma_wait3A_545, %dma_wait3A_546] : memref<100x64xf32, #tpu.memory_space<hbm>> -> memref<100x64xf32, #tpu.memory_space<hbm>>
      tpu.wait_indirect_dma semaphore(%arg13 : memref<!tpu.dma_semaphore, #tpu.memory_space<semaphore_mem>>) src(%dma_wait3A_547 : memref<100x64xf32, #tpu.memory_space<hbm>>) dst(%dma_wait3A_541 : memref<100x64xf32, #tpu.memory_space<vmem>>)
      %dma_wait3A_548 = arith.constant 0 : i32
      %dma_wait3A_549 = arith.constant 1 : i32
      %dma_wait3A_550 = arith.constant 300 : i32
      %dma_wait3A_551 = arith.constant 0 : i32
      %dma_wait3A_552 = tpu.memref_slice %arg9[%dma_wait3A_550, %dma_wait3A_551] : memref<400x64xf32, #tpu.memory_space<vmem>> -> memref<100x64xf32, #tpu.memory_space<vmem>>
      %dma_wait3A_553 = arith.constant 0 : i32
      %dma_wait3A_554 = tpu.memref_slice %arg6[%dma_wait3A_548, %dma_wait3A_549, %dma_wait3A_553] : memref<128x2x100xi32, #tpu.memory_space<vmem>> -> memref<1x1x100xi32, #tpu.memory_space<vmem>>
      %dma_wait3A_555 = tpu.memref_squeeze %dma_wait3A_554 : memref<1x1x100xi32, #tpu.memory_space<vmem>> -> memref<100xi32, #tpu.memory_space<vmem>>
      %dma_wait3A_556 = arith.constant 0 : i32
      %dma_wait3A_557 = arith.constant 0 : i32
      %dma_wait3A_558 = tpu.memref_slice %arg4[%dma_wait3A_556, %dma_wait3A_557] : memref<100000x64xf32, #tpu.memory_space<hbm>> -> memref<100000x64xf32, #tpu.memory_space<hbm>>
      tpu.wait_indirect_dma semaphore(%arg13 : memref<!tpu.dma_semaphore, #tpu.memory_space<semaphore_mem>>) src(%dma_wait3A_558 : memref<100000x64xf32, #tpu.memory_space<hbm>>) dst(%dma_wait3A_552 : memref<100x64xf32, #tpu.memory_space<vmem>>)
      %mul3A_559 = arith.constant 400 : i32
      %mul3A_560 = arith.muli %add3A_514, %mul3A_559 : i32
      %add3A_561 = arith.addi %mul3A_4, %mul3A_560 : i32
      %dma_start3A_562 = arith.constant 0 : i32
      %dma_start3A_563 = tpu.memref_slice %arg5[%add3A_561, %dma_start3A_562] : memref<819200x64xf32, #tpu.memory_space<hbm>> -> memref<400x64xf32, #tpu.memory_space<hbm>>
      %dma_start3A_564 = arith.constant 0 : i32
      %dma_start3A_565 = tpu.memref_slice %arg5[%add3A_561, %dma_start3A_564] : memref<819200x64xf32, #tpu.memory_space<hbm>> -> memref<400x64xf32, #tpu.memory_space<hbm>>
      tpu.enqueue_dma source(%arg9 : memref<400x64xf32, #tpu.memory_space<vmem>>) target(%dma_start3A_565 : memref<400x64xf32, #tpu.memory_space<hbm>>) target_semaphore(%arg17 : memref<!tpu.dma_semaphore, #tpu.memory_space<semaphore_mem>>)
      %mul3A_566 = arith.constant 4 : i32
      %mul3A_567 = arith.muli %scan3A_400, %mul3A_566 : i32
      %add3A_568 = arith.constant 3 : i32
      %add3A_569 = arith.addi %mul3A_567, %add3A_568 : i32
      %dma_wait3A_570 = arith.constant 0 : i32
      %dma_wait3A_571 = arith.constant 0 : i32
      %dma_wait3A_572 = arith.constant 0 : i32
      %dma_wait3A_573 = arith.constant 0 : i32
      %dma_wait3A_574 = tpu.memref_slice %arg10[%dma_wait3A_572, %dma_wait3A_573] : memref<400x64xf32, #tpu.memory_space<vmem>> -> memref<100x64xf32, #tpu.memory_space<vmem>>
      %dma_wait3A_575 = arith.constant 0 : i32
      %dma_wait3A_576 = tpu.memref_slice %arg6[%dma_wait3A_570, %dma_wait3A_571, %dma_wait3A_575] : memref<128x2x100xi32, #tpu.memory_space<vmem>> -> memref<1x1x100xi32, #tpu.memory_space<vmem>>
      %dma_wait3A_577 = tpu.memref_squeeze %dma_wait3A_576 : memref<1x1x100xi32, #tpu.memory_space<vmem>> -> memref<100xi32, #tpu.memory_space<vmem>>
      %dma_wait3A_578 = arith.constant 0 : i32
      %dma_wait3A_579 = arith.constant 0 : i32
      %dma_wait3A_580 = tpu.memref_slice %arg3[%dma_wait3A_578, %dma_wait3A_579] : memref<100x64xf32, #tpu.memory_space<hbm>> -> memref<100x64xf32, #tpu.memory_space<hbm>>
      tpu.wait_indirect_dma semaphore(%arg14 : memref<!tpu.dma_semaphore, #tpu.memory_space<semaphore_mem>>) src(%dma_wait3A_580 : memref<100x64xf32, #tpu.memory_space<hbm>>) dst(%dma_wait3A_574 : memref<100x64xf32, #tpu.memory_space<vmem>>)
      %dma_wait3A_581 = arith.constant 0 : i32
      %dma_wait3A_582 = arith.constant 1 : i32
      %dma_wait3A_583 = arith.constant 100 : i32
      %dma_wait3A_584 = arith.constant 0 : i32
      %dma_wait3A_585 = tpu.memref_slice %arg10[%dma_wait3A_583, %dma_wait3A_584] : memref<400x64xf32, #tpu.memory_space<vmem>> -> memref<100x64xf32, #tpu.memory_space<vmem>>
      %dma_wait3A_586 = arith.constant 0 : i32
      %dma_wait3A_587 = tpu.memref_slice %arg6[%dma_wait3A_581, %dma_wait3A_582, %dma_wait3A_586] : memref<128x2x100xi32, #tpu.memory_space<vmem>> -> memref<1x1x100xi32, #tpu.memory_space<vmem>>
      %dma_wait3A_588 = tpu.memref_squeeze %dma_wait3A_587 : memref<1x1x100xi32, #tpu.memory_space<vmem>> -> memref<100xi32, #tpu.memory_space<vmem>>
      %dma_wait3A_589 = arith.constant 0 : i32
      %dma_wait3A_590 = arith.constant 0 : i32
      %dma_wait3A_591 = tpu.memref_slice %arg4[%dma_wait3A_589, %dma_wait3A_590] : memref<100000x64xf32, #tpu.memory_space<hbm>> -> memref<100000x64xf32, #tpu.memory_space<hbm>>
      tpu.wait_indirect_dma semaphore(%arg14 : memref<!tpu.dma_semaphore, #tpu.memory_space<semaphore_mem>>) src(%dma_wait3A_591 : memref<100000x64xf32, #tpu.memory_space<hbm>>) dst(%dma_wait3A_585 : memref<100x64xf32, #tpu.memory_space<vmem>>)
      %dma_wait3A_592 = arith.constant 0 : i32
      %dma_wait3A_593 = arith.constant 0 : i32
      %dma_wait3A_594 = arith.constant 200 : i32
      %dma_wait3A_595 = arith.constant 0 : i32
      %dma_wait3A_596 = tpu.memref_slice %arg10[%dma_wait3A_594, %dma_wait3A_595] : memref<400x64xf32, #tpu.memory_space<vmem>> -> memref<100x64xf32, #tpu.memory_space<vmem>>
      %dma_wait3A_597 = arith.constant 0 : i32
      %dma_wait3A_598 = tpu.memref_slice %arg6[%dma_wait3A_592, %dma_wait3A_593, %dma_wait3A_597] : memref<128x2x100xi32, #tpu.memory_space<vmem>> -> memref<1x1x100xi32, #tpu.memory_space<vmem>>
      %dma_wait3A_599 = tpu.memref_squeeze %dma_wait3A_598 : memref<1x1x100xi32, #tpu.memory_space<vmem>> -> memref<100xi32, #tpu.memory_space<vmem>>
      %dma_wait3A_600 = arith.constant 0 : i32
      %dma_wait3A_601 = arith.constant 0 : i32
      %dma_wait3A_602 = tpu.memref_slice %arg3[%dma_wait3A_600, %dma_wait3A_601] : memref<100x64xf32, #tpu.memory_space<hbm>> -> memref<100x64xf32, #tpu.memory_space<hbm>>
      tpu.wait_indirect_dma semaphore(%arg14 : memref<!tpu.dma_semaphore, #tpu.memory_space<semaphore_mem>>) src(%dma_wait3A_602 : memref<100x64xf32, #tpu.memory_space<hbm>>) dst(%dma_wait3A_596 : memref<100x64xf32, #tpu.memory_space<vmem>>)
      %dma_wait3A_603 = arith.constant 0 : i32
      %dma_wait3A_604 = arith.constant 1 : i32
      %dma_wait3A_605 = arith.constant 300 : i32
      %dma_wait3A_606 = arith.constant 0 : i32
      %dma_wait3A_607 = tpu.memref_slice %arg10[%dma_wait3A_605, %dma_wait3A_606] : memref<400x64xf32, #tpu.memory_space<vmem>> -> memref<100x64xf32, #tpu.memory_space<vmem>>
      %dma_wait3A_608 = arith.constant 0 : i32
      %dma_wait3A_609 = tpu.memref_slice %arg6[%dma_wait3A_603, %dma_wait3A_604, %dma_wait3A_608] : memref<128x2x100xi32, #tpu.memory_space<vmem>> -> memref<1x1x100xi32, #tpu.memory_space<vmem>>
      %dma_wait3A_610 = tpu.memref_squeeze %dma_wait3A_609 : memref<1x1x100xi32, #tpu.memory_space<vmem>> -> memref<100xi32, #tpu.memory_space<vmem>>
      %dma_wait3A_611 = arith.constant 0 : i32
      %dma_wait3A_612 = arith.constant 0 : i32
      %dma_wait3A_613 = tpu.memref_slice %arg4[%dma_wait3A_611, %dma_wait3A_612] : memref<100000x64xf32, #tpu.memory_space<hbm>> -> memref<100000x64xf32, #tpu.memory_space<hbm>>
      tpu.wait_indirect_dma semaphore(%arg14 : memref<!tpu.dma_semaphore, #tpu.memory_space<semaphore_mem>>) src(%dma_wait3A_613 : memref<100000x64xf32, #tpu.memory_space<hbm>>) dst(%dma_wait3A_607 : memref<100x64xf32, #tpu.memory_space<vmem>>)
      %mul3A_614 = arith.constant 400 : i32
      %mul3A_615 = arith.muli %add3A_569, %mul3A_614 : i32
      %add3A_616 = arith.addi %mul3A_4, %mul3A_615 : i32
      %dma_start3A_617 = arith.constant 0 : i32
      %dma_start3A_618 = tpu.memref_slice %arg5[%add3A_616, %dma_start3A_617] : memref<819200x64xf32, #tpu.memory_space<hbm>> -> memref<400x64xf32, #tpu.memory_space<hbm>>
      %dma_start3A_619 = arith.constant 0 : i32
      %dma_start3A_620 = tpu.memref_slice %arg5[%add3A_616, %dma_start3A_619] : memref<819200x64xf32, #tpu.memory_space<hbm>> -> memref<400x64xf32, #tpu.memory_space<hbm>>
      tpu.enqueue_dma source(%arg10 : memref<400x64xf32, #tpu.memory_space<vmem>>) target(%dma_start3A_620 : memref<400x64xf32, #tpu.memory_space<hbm>>) target_semaphore(%arg18 : memref<!tpu.dma_semaphore, #tpu.memory_space<semaphore_mem>>)
      %mul3A_621 = arith.constant 4 : i32
      %mul3A_622 = arith.muli %scan3A_400, %mul3A_621 : i32
      %add3A_623 = arith.constant 0 : i32
      %add3A_624 = arith.addi %mul3A_622, %add3A_623 : i32
      %dma_wait3A_625 = arith.constant 0 : i32
      %dma_wait3A_626 = tpu.memref_slice %arg5[%mul3A_4, %dma_wait3A_625] : memref<819200x64xf32, #tpu.memory_space<hbm>> -> memref<400x64xf32, #tpu.memory_space<hbm>>
      %dma_wait3A_627 = arith.constant 0 : i32
      %dma_wait3A_628 = tpu.memref_slice %arg5[%mul3A_4, %dma_wait3A_627] : memref<819200x64xf32, #tpu.memory_space<hbm>> -> memref<400x64xf32, #tpu.memory_space<hbm>>
      tpu.wait_dma2 semaphore(%arg15 : memref<!tpu.dma_semaphore, #tpu.memory_space<semaphore_mem>>) src(%arg7 : memref<400x64xf32, #tpu.memory_space<vmem>>) dst(%dma_wait3A_628 : memref<400x64xf32, #tpu.memory_space<hbm>>)
      %add3A_629 = arith.constant 4 : i32
      %add3A_630 = arith.addi %add3A_624, %add3A_629 : i32
      %mul3A_631 = arith.constant 2 : i32
      %mul3A_632 = arith.muli %add3A_630, %mul3A_631 : i32
      %add3A_633 = arith.constant 0 : i32
      %add3A_634 = arith.addi %mul3A_632, %add3A_633 : i32
      %dma_start3A_635 = arith.constant 0 : i32
      %dma_start3A_636 = arith.constant 0 : i32
      %dma_start3A_637 = arith.constant 0 : i32
      %dma_start3A_638 = tpu.memref_slice %arg7[%dma_start3A_636, %dma_start3A_637] : memref<400x64xf32, #tpu.memory_space<vmem>> -> memref<100x64xf32, #tpu.memory_space<vmem>>
      %dma_start3A_639 = arith.constant 0 : i32
      %dma_start3A_640 = tpu.memref_slice %arg6[%add3A_634, %dma_start3A_635, %dma_start3A_639] : memref<128x2x100xi32, #tpu.memory_space<vmem>> -> memref<1x1x100xi32, #tpu.memory_space<vmem>>
      %dma_start3A_641 = tpu.memref_squeeze %dma_start3A_640 : memref<1x1x100xi32, #tpu.memory_space<vmem>> -> memref<100xi32, #tpu.memory_space<vmem>>
      %dma_start3A_642 = arith.constant 0 : i32
      %dma_start3A_643 = arith.constant 0 : i32
      %dma_start3A_644 = tpu.memref_slice %arg3[%dma_start3A_642, %dma_start3A_643] : memref<100x64xf32, #tpu.memory_space<hbm>> -> memref<100x64xf32, #tpu.memory_space<hbm>>
      tpu.enqueue_indirect_dma source(%dma_start3A_644 : memref<100x64xf32, #tpu.memory_space<hbm>>) target(%dma_start3A_638 : memref<100x64xf32, #tpu.memory_space<vmem>>) offsets(%dma_start3A_641 : memref<100xi32, #tpu.memory_space<vmem>>) semaphore(%arg11 : memref<!tpu.dma_semaphore, #tpu.memory_space<semaphore_mem>>)
      %dma_start3A_645 = arith.constant 1 : i32
      %dma_start3A_646 = arith.constant 100 : i32
      %dma_start3A_647 = arith.constant 0 : i32
      %dma_start3A_648 = tpu.memref_slice %arg7[%dma_start3A_646, %dma_start3A_647] : memref<400x64xf32, #tpu.memory_space<vmem>> -> memref<100x64xf32, #tpu.memory_space<vmem>>
      %dma_start3A_649 = arith.constant 0 : i32
      %dma_start3A_650 = tpu.memref_slice %arg6[%add3A_634, %dma_start3A_645, %dma_start3A_649] : memref<128x2x100xi32, #tpu.memory_space<vmem>> -> memref<1x1x100xi32, #tpu.memory_space<vmem>>
      %dma_start3A_651 = tpu.memref_squeeze %dma_start3A_650 : memref<1x1x100xi32, #tpu.memory_space<vmem>> -> memref<100xi32, #tpu.memory_space<vmem>>
      %dma_start3A_652 = arith.constant 0 : i32
      %dma_start3A_653 = arith.constant 0 : i32
      %dma_start3A_654 = tpu.memref_slice %arg4[%dma_start3A_652, %dma_start3A_653] : memref<100000x64xf32, #tpu.memory_space<hbm>> -> memref<100000x64xf32, #tpu.memory_space<hbm>>
      tpu.enqueue_indirect_dma source(%dma_start3A_654 : memref<100000x64xf32, #tpu.memory_space<hbm>>) target(%dma_start3A_648 : memref<100x64xf32, #tpu.memory_space<vmem>>) offsets(%dma_start3A_651 : memref<100xi32, #tpu.memory_space<vmem>>) semaphore(%arg11 : memref<!tpu.dma_semaphore, #tpu.memory_space<semaphore_mem>>)
      %mul3A_655 = arith.constant 2 : i32
      %mul3A_656 = arith.muli %add3A_630, %mul3A_655 : i32
      %add3A_657 = arith.constant 1 : i32
      %add3A_658 = arith.addi %mul3A_656, %add3A_657 : i32
      %dma_start3A_659 = arith.constant 0 : i32
      %dma_start3A_660 = arith.constant 200 : i32
      %dma_start3A_661 = arith.constant 0 : i32
      %dma_start3A_662 = tpu.memref_slice %arg7[%dma_start3A_660, %dma_start3A_661] : memref<400x64xf32, #tpu.memory_space<vmem>> -> memref<100x64xf32, #tpu.memory_space<vmem>>
      %dma_start3A_663 = arith.constant 0 : i32
      %dma_start3A_664 = tpu.memref_slice %arg6[%add3A_658, %dma_start3A_659, %dma_start3A_663] : memref<128x2x100xi32, #tpu.memory_space<vmem>> -> memref<1x1x100xi32, #tpu.memory_space<vmem>>
      %dma_start3A_665 = tpu.memref_squeeze %dma_start3A_664 : memref<1x1x100xi32, #tpu.memory_space<vmem>> -> memref<100xi32, #tpu.memory_space<vmem>>
      %dma_start3A_666 = arith.constant 0 : i32
      %dma_start3A_667 = arith.constant 0 : i32
      %dma_start3A_668 = tpu.memref_slice %arg3[%dma_start3A_666, %dma_start3A_667] : memref<100x64xf32, #tpu.memory_space<hbm>> -> memref<100x64xf32, #tpu.memory_space<hbm>>
      tpu.enqueue_indirect_dma source(%dma_start3A_668 : memref<100x64xf32, #tpu.memory_space<hbm>>) target(%dma_start3A_662 : memref<100x64xf32, #tpu.memory_space<vmem>>) offsets(%dma_start3A_665 : memref<100xi32, #tpu.memory_space<vmem>>) semaphore(%arg11 : memref<!tpu.dma_semaphore, #tpu.memory_space<semaphore_mem>>)
      %dma_start3A_669 = arith.constant 1 : i32
      %dma_start3A_670 = arith.constant 300 : i32
      %dma_start3A_671 = arith.constant 0 : i32
      %dma_start3A_672 = tpu.memref_slice %arg7[%dma_start3A_670, %dma_start3A_671] : memref<400x64xf32, #tpu.memory_space<vmem>> -> memref<100x64xf32, #tpu.memory_space<vmem>>
      %dma_start3A_673 = arith.constant 0 : i32
      %dma_start3A_674 = tpu.memref_slice %arg6[%add3A_658, %dma_start3A_669, %dma_start3A_673] : memref<128x2x100xi32, #tpu.memory_space<vmem>> -> memref<1x1x100xi32, #tpu.memory_space<vmem>>
      %dma_start3A_675 = tpu.memref_squeeze %dma_start3A_674 : memref<1x1x100xi32, #tpu.memory_space<vmem>> -> memref<100xi32, #tpu.memory_space<vmem>>
      %dma_start3A_676 = arith.constant 0 : i32
      %dma_start3A_677 = arith.constant 0 : i32
      %dma_start3A_678 = tpu.memref_slice %arg4[%dma_start3A_676, %dma_start3A_677] : memref<100000x64xf32, #tpu.memory_space<hbm>> -> memref<100000x64xf32, #tpu.memory_space<hbm>>
      tpu.enqueue_indirect_dma source(%dma_start3A_678 : memref<100000x64xf32, #tpu.memory_space<hbm>>) target(%dma_start3A_672 : memref<100x64xf32, #tpu.memory_space<vmem>>) offsets(%dma_start3A_675 : memref<100xi32, #tpu.memory_space<vmem>>) semaphore(%arg11 : memref<!tpu.dma_semaphore, #tpu.memory_space<semaphore_mem>>)
      %mul3A_679 = arith.constant 4 : i32
      %mul3A_680 = arith.muli %scan3A_400, %mul3A_679 : i32
      %add3A_681 = arith.constant 1 : i32
      %add3A_682 = arith.addi %mul3A_680, %add3A_681 : i32
      %dma_wait3A_683 = arith.constant 0 : i32
      %dma_wait3A_684 = tpu.memref_slice %arg5[%mul3A_4, %dma_wait3A_683] : memref<819200x64xf32, #tpu.memory_space<hbm>> -> memref<400x64xf32, #tpu.memory_space<hbm>>
      %dma_wait3A_685 = arith.constant 0 : i32
      %dma_wait3A_686 = tpu.memref_slice %arg5[%mul3A_4, %dma_wait3A_685] : memref<819200x64xf32, #tpu.memory_space<hbm>> -> memref<400x64xf32, #tpu.memory_space<hbm>>
      tpu.wait_dma2 semaphore(%arg16 : memref<!tpu.dma_semaphore, #tpu.memory_space<semaphore_mem>>) src(%arg8 : memref<400x64xf32, #tpu.memory_space<vmem>>) dst(%dma_wait3A_686 : memref<400x64xf32, #tpu.memory_space<hbm>>)
      %add3A_687 = arith.constant 4 : i32
      %add3A_688 = arith.addi %add3A_682, %add3A_687 : i32
      %mul3A_689 = arith.constant 2 : i32
      %mul3A_690 = arith.muli %add3A_688, %mul3A_689 : i32
      %add3A_691 = arith.constant 0 : i32
      %add3A_692 = arith.addi %mul3A_690, %add3A_691 : i32
      %dma_start3A_693 = arith.constant 0 : i32
      %dma_start3A_694 = arith.constant 0 : i32
      %dma_start3A_695 = arith.constant 0 : i32
      %dma_start3A_696 = tpu.memref_slice %arg8[%dma_start3A_694, %dma_start3A_695] : memref<400x64xf32, #tpu.memory_space<vmem>> -> memref<100x64xf32, #tpu.memory_space<vmem>>
      %dma_start3A_697 = arith.constant 0 : i32
      %dma_start3A_698 = tpu.memref_slice %arg6[%add3A_692, %dma_start3A_693, %dma_start3A_697] : memref<128x2x100xi32, #tpu.memory_space<vmem>> -> memref<1x1x100xi32, #tpu.memory_space<vmem>>
      %dma_start3A_699 = tpu.memref_squeeze %dma_start3A_698 : memref<1x1x100xi32, #tpu.memory_space<vmem>> -> memref<100xi32, #tpu.memory_space<vmem>>
      %dma_start3A_700 = arith.constant 0 : i32
      %dma_start3A_701 = arith.constant 0 : i32
      %dma_start3A_702 = tpu.memref_slice %arg3[%dma_start3A_700, %dma_start3A_701] : memref<100x64xf32, #tpu.memory_space<hbm>> -> memref<100x64xf32, #tpu.memory_space<hbm>>
      tpu.enqueue_indirect_dma source(%dma_start3A_702 : memref<100x64xf32, #tpu.memory_space<hbm>>) target(%dma_start3A_696 : memref<100x64xf32, #tpu.memory_space<vmem>>) offsets(%dma_start3A_699 : memref<100xi32, #tpu.memory_space<vmem>>) semaphore(%arg12 : memref<!tpu.dma_semaphore, #tpu.memory_space<semaphore_mem>>)
      %dma_start3A_703 = arith.constant 1 : i32
      %dma_start3A_704 = arith.constant 100 : i32
      %dma_start3A_705 = arith.constant 0 : i32
      %dma_start3A_706 = tpu.memref_slice %arg8[%dma_start3A_704, %dma_start3A_705] : memref<400x64xf32, #tpu.memory_space<vmem>> -> memref<100x64xf32, #tpu.memory_space<vmem>>
      %dma_start3A_707 = arith.constant 0 : i32
      %dma_start3A_708 = tpu.memref_slice %arg6[%add3A_692, %dma_start3A_703, %dma_start3A_707] : memref<128x2x100xi32, #tpu.memory_space<vmem>> -> memref<1x1x100xi32, #tpu.memory_space<vmem>>
      %dma_start3A_709 = tpu.memref_squeeze %dma_start3A_708 : memref<1x1x100xi32, #tpu.memory_space<vmem>> -> memref<100xi32, #tpu.memory_space<vmem>>
      %dma_start3A_710 = arith.constant 0 : i32
      %dma_start3A_711 = arith.constant 0 : i32
      %dma_start3A_712 = tpu.memref_slice %arg4[%dma_start3A_710, %dma_start3A_711] : memref<100000x64xf32, #tpu.memory_space<hbm>> -> memref<100000x64xf32, #tpu.memory_space<hbm>>
      tpu.enqueue_indirect_dma source(%dma_start3A_712 : memref<100000x64xf32, #tpu.memory_space<hbm>>) target(%dma_start3A_706 : memref<100x64xf32, #tpu.memory_space<vmem>>) offsets(%dma_start3A_709 : memref<100xi32, #tpu.memory_space<vmem>>) semaphore(%arg12 : memref<!tpu.dma_semaphore, #tpu.memory_space<semaphore_mem>>)
      %mul3A_713 = arith.constant 2 : i32
      %mul3A_714 = arith.muli %add3A_688, %mul3A_713 : i32
      %add3A_715 = arith.constant 1 : i32
      %add3A_716 = arith.addi %mul3A_714, %add3A_715 : i32
      %dma_start3A_717 = arith.constant 0 : i32
      %dma_start3A_718 = arith.constant 200 : i32
      %dma_start3A_719 = arith.constant 0 : i32
      %dma_start3A_720 = tpu.memref_slice %arg8[%dma_start3A_718, %dma_start3A_719] : memref<400x64xf32, #tpu.memory_space<vmem>> -> memref<100x64xf32, #tpu.memory_space<vmem>>
      %dma_start3A_721 = arith.constant 0 : i32
      %dma_start3A_722 = tpu.memref_slice %arg6[%add3A_716, %dma_start3A_717, %dma_start3A_721] : memref<128x2x100xi32, #tpu.memory_space<vmem>> -> memref<1x1x100xi32, #tpu.memory_space<vmem>>
      %dma_start3A_723 = tpu.memref_squeeze %dma_start3A_722 : memref<1x1x100xi32, #tpu.memory_space<vmem>> -> memref<100xi32, #tpu.memory_space<vmem>>
      %dma_start3A_724 = arith.constant 0 : i32
      %dma_start3A_725 = arith.constant 0 : i32
      %dma_start3A_726 = tpu.memref_slice %arg3[%dma_start3A_724, %dma_start3A_725] : memref<100x64xf32, #tpu.memory_space<hbm>> -> memref<100x64xf32, #tpu.memory_space<hbm>>
      tpu.enqueue_indirect_dma source(%dma_start3A_726 : memref<100x64xf32, #tpu.memory_space<hbm>>) target(%dma_start3A_720 : memref<100x64xf32, #tpu.memory_space<vmem>>) offsets(%dma_start3A_723 : memref<100xi32, #tpu.memory_space<vmem>>) semaphore(%arg12 : memref<!tpu.dma_semaphore, #tpu.memory_space<semaphore_mem>>)
      %dma_start3A_727 = arith.constant 1 : i32
      %dma_start3A_728 = arith.constant 300 : i32
      %dma_start3A_729 = arith.constant 0 : i32
      %dma_start3A_730 = tpu.memref_slice %arg8[%dma_start3A_728, %dma_start3A_729] : memref<400x64xf32, #tpu.memory_space<vmem>> -> memref<100x64xf32, #tpu.memory_space<vmem>>
      %dma_start3A_731 = arith.constant 0 : i32
      %dma_start3A_732 = tpu.memref_slice %arg6[%add3A_716, %dma_start3A_727, %dma_start3A_731] : memref<128x2x100xi32, #tpu.memory_space<vmem>> -> memref<1x1x100xi32, #tpu.memory_space<vmem>>
      %dma_start3A_733 = tpu.memref_squeeze %dma_start3A_732 : memref<1x1x100xi32, #tpu.memory_space<vmem>> -> memref<100xi32, #tpu.memory_space<vmem>>
      %dma_start3A_734 = arith.constant 0 : i32
      %dma_start3A_735 = arith.constant 0 : i32
      %dma_start3A_736 = tpu.memref_slice %arg4[%dma_start3A_734, %dma_start3A_735] : memref<100000x64xf32, #tpu.memory_space<hbm>> -> memref<100000x64xf32, #tpu.memory_space<hbm>>
      tpu.enqueue_indirect_dma source(%dma_start3A_736 : memref<100000x64xf32, #tpu.memory_space<hbm>>) target(%dma_start3A_730 : memref<100x64xf32, #tpu.memory_space<vmem>>) offsets(%dma_start3A_733 : memref<100xi32, #tpu.memory_space<vmem>>) semaphore(%arg12 : memref<!tpu.dma_semaphore, #tpu.memory_space<semaphore_mem>>)
      %mul3A_737 = arith.constant 4 : i32
      %mul3A_738 = arith.muli %scan3A_400, %mul3A_737 : i32
      %add3A_739 = arith.constant 2 : i32
      %add3A_740 = arith.addi %mul3A_738, %add3A_739 : i32
      %dma_wait3A_741 = arith.constant 0 : i32
      %dma_wait3A_742 = tpu.memref_slice %arg5[%mul3A_4, %dma_wait3A_741] : memref<819200x64xf32, #tpu.memory_space<hbm>> -> memref<400x64xf32, #tpu.memory_space<hbm>>
      %dma_wait3A_743 = arith.constant 0 : i32
      %dma_wait3A_744 = tpu.memref_slice %arg5[%mul3A_4, %dma_wait3A_743] : memref<819200x64xf32, #tpu.memory_space<hbm>> -> memref<400x64xf32, #tpu.memory_space<hbm>>
      tpu.wait_dma2 semaphore(%arg17 : memref<!tpu.dma_semaphore, #tpu.memory_space<semaphore_mem>>) src(%arg9 : memref<400x64xf32, #tpu.memory_space<vmem>>) dst(%dma_wait3A_744 : memref<400x64xf32, #tpu.memory_space<hbm>>)
      %add3A_745 = arith.constant 4 : i32
      %add3A_746 = arith.addi %add3A_740, %add3A_745 : i32
      %mul3A_747 = arith.constant 2 : i32
      %mul3A_748 = arith.muli %add3A_746, %mul3A_747 : i32
      %add3A_749 = arith.constant 0 : i32
      %add3A_750 = arith.addi %mul3A_748, %add3A_749 : i32
      %dma_start3A_751 = arith.constant 0 : i32
      %dma_start3A_752 = arith.constant 0 : i32
      %dma_start3A_753 = arith.constant 0 : i32
      %dma_start3A_754 = tpu.memref_slice %arg9[%dma_start3A_752, %dma_start3A_753] : memref<400x64xf32, #tpu.memory_space<vmem>> -> memref<100x64xf32, #tpu.memory_space<vmem>>
      %dma_start3A_755 = arith.constant 0 : i32
      %dma_start3A_756 = tpu.memref_slice %arg6[%add3A_750, %dma_start3A_751, %dma_start3A_755] : memref<128x2x100xi32, #tpu.memory_space<vmem>> -> memref<1x1x100xi32, #tpu.memory_space<vmem>>
      %dma_start3A_757 = tpu.memref_squeeze %dma_start3A_756 : memref<1x1x100xi32, #tpu.memory_space<vmem>> -> memref<100xi32, #tpu.memory_space<vmem>>
      %dma_start3A_758 = arith.constant 0 : i32
      %dma_start3A_759 = arith.constant 0 : i32
      %dma_start3A_760 = tpu.memref_slice %arg3[%dma_start3A_758, %dma_start3A_759] : memref<100x64xf32, #tpu.memory_space<hbm>> -> memref<100x64xf32, #tpu.memory_space<hbm>>
      tpu.enqueue_indirect_dma source(%dma_start3A_760 : memref<100x64xf32, #tpu.memory_space<hbm>>) target(%dma_start3A_754 : memref<100x64xf32, #tpu.memory_space<vmem>>) offsets(%dma_start3A_757 : memref<100xi32, #tpu.memory_space<vmem>>) semaphore(%arg13 : memref<!tpu.dma_semaphore, #tpu.memory_space<semaphore_mem>>)
      %dma_start3A_761 = arith.constant 1 : i32
      %dma_start3A_762 = arith.constant 100 : i32
      %dma_start3A_763 = arith.constant 0 : i32
      %dma_start3A_764 = tpu.memref_slice %arg9[%dma_start3A_762, %dma_start3A_763] : memref<400x64xf32, #tpu.memory_space<vmem>> -> memref<100x64xf32, #tpu.memory_space<vmem>>
      %dma_start3A_765 = arith.constant 0 : i32
      %dma_start3A_766 = tpu.memref_slice %arg6[%add3A_750, %dma_start3A_761, %dma_start3A_765] : memref<128x2x100xi32, #tpu.memory_space<vmem>> -> memref<1x1x100xi32, #tpu.memory_space<vmem>>
      %dma_start3A_767 = tpu.memref_squeeze %dma_start3A_766 : memref<1x1x100xi32, #tpu.memory_space<vmem>> -> memref<100xi32, #tpu.memory_space<vmem>>
      %dma_start3A_768 = arith.constant 0 : i32
      %dma_start3A_769 = arith.constant 0 : i32
      %dma_start3A_770 = tpu.memref_slice %arg4[%dma_start3A_768, %dma_start3A_769] : memref<100000x64xf32, #tpu.memory_space<hbm>> -> memref<100000x64xf32, #tpu.memory_space<hbm>>
      tpu.enqueue_indirect_dma source(%dma_start3A_770 : memref<100000x64xf32, #tpu.memory_space<hbm>>) target(%dma_start3A_764 : memref<100x64xf32, #tpu.memory_space<vmem>>) offsets(%dma_start3A_767 : memref<100xi32, #tpu.memory_space<vmem>>) semaphore(%arg13 : memref<!tpu.dma_semaphore, #tpu.memory_space<semaphore_mem>>)
      %mul3A_771 = arith.constant 2 : i32
      %mul3A_772 = arith.muli %add3A_746, %mul3A_771 : i32
      %add3A_773 = arith.constant 1 : i32
      %add3A_774 = arith.addi %mul3A_772, %add3A_773 : i32
      %dma_start3A_775 = arith.constant 0 : i32
      %dma_start3A_776 = arith.constant 200 : i32
      %dma_start3A_777 = arith.constant 0 : i32
      %dma_start3A_778 = tpu.memref_slice %arg9[%dma_start3A_776, %dma_start3A_777] : memref<400x64xf32, #tpu.memory_space<vmem>> -> memref<100x64xf32, #tpu.memory_space<vmem>>
      %dma_start3A_779 = arith.constant 0 : i32
      %dma_start3A_780 = tpu.memref_slice %arg6[%add3A_774, %dma_start3A_775, %dma_start3A_779] : memref<128x2x100xi32, #tpu.memory_space<vmem>> -> memref<1x1x100xi32, #tpu.memory_space<vmem>>
      %dma_start3A_781 = tpu.memref_squeeze %dma_start3A_780 : memref<1x1x100xi32, #tpu.memory_space<vmem>> -> memref<100xi32, #tpu.memory_space<vmem>>
      %dma_start3A_782 = arith.constant 0 : i32
      %dma_start3A_783 = arith.constant 0 : i32
      %dma_start3A_784 = tpu.memref_slice %arg3[%dma_start3A_782, %dma_start3A_783] : memref<100x64xf32, #tpu.memory_space<hbm>> -> memref<100x64xf32, #tpu.memory_space<hbm>>
      tpu.enqueue_indirect_dma source(%dma_start3A_784 : memref<100x64xf32, #tpu.memory_space<hbm>>) target(%dma_start3A_778 : memref<100x64xf32, #tpu.memory_space<vmem>>) offsets(%dma_start3A_781 : memref<100xi32, #tpu.memory_space<vmem>>) semaphore(%arg13 : memref<!tpu.dma_semaphore, #tpu.memory_space<semaphore_mem>>)
      %dma_start3A_785 = arith.constant 1 : i32
      %dma_start3A_786 = arith.constant 300 : i32
      %dma_start3A_787 = arith.constant 0 : i32
      %dma_start3A_788 = tpu.memref_slice %arg9[%dma_start3A_786, %dma_start3A_787] : memref<400x64xf32, #tpu.memory_space<vmem>> -> memref<100x64xf32, #tpu.memory_space<vmem>>
      %dma_start3A_789 = arith.constant 0 : i32
      %dma_start3A_790 = tpu.memref_slice %arg6[%add3A_774, %dma_start3A_785, %dma_start3A_789] : memref<128x2x100xi32, #tpu.memory_space<vmem>> -> memref<1x1x100xi32, #tpu.memory_space<vmem>>
      %dma_start3A_791 = tpu.memref_squeeze %dma_start3A_790 : memref<1x1x100xi32, #tpu.memory_space<vmem>> -> memref<100xi32, #tpu.memory_space<vmem>>
      %dma_start3A_792 = arith.constant 0 : i32
      %dma_start3A_793 = arith.constant 0 : i32
      %dma_start3A_794 = tpu.memref_slice %arg4[%dma_start3A_792, %dma_start3A_793] : memref<100000x64xf32, #tpu.memory_space<hbm>> -> memref<100000x64xf32, #tpu.memory_space<hbm>>
      tpu.enqueue_indirect_dma source(%dma_start3A_794 : memref<100000x64xf32, #tpu.memory_space<hbm>>) target(%dma_start3A_788 : memref<100x64xf32, #tpu.memory_space<vmem>>) offsets(%dma_start3A_791 : memref<100xi32, #tpu.memory_space<vmem>>) semaphore(%arg13 : memref<!tpu.dma_semaphore, #tpu.memory_space<semaphore_mem>>)
      %mul3A_795 = arith.constant 4 : i32
      %mul3A_796 = arith.muli %scan3A_400, %mul3A_795 : i32
      %add3A_797 = arith.constant 3 : i32
      %add3A_798 = arith.addi %mul3A_796, %add3A_797 : i32
      %dma_wait3A_799 = arith.constant 0 : i32
      %dma_wait3A_800 = tpu.memref_slice %arg5[%mul3A_4, %dma_wait3A_799] : memref<819200x64xf32, #tpu.memory_space<hbm>> -> memref<400x64xf32, #tpu.memory_space<hbm>>
      %dma_wait3A_801 = arith.constant 0 : i32
      %dma_wait3A_802 = tpu.memref_slice %arg5[%mul3A_4, %dma_wait3A_801] : memref<819200x64xf32, #tpu.memory_space<hbm>> -> memref<400x64xf32, #tpu.memory_space<hbm>>
      tpu.wait_dma2 semaphore(%arg18 : memref<!tpu.dma_semaphore, #tpu.memory_space<semaphore_mem>>) src(%arg10 : memref<400x64xf32, #tpu.memory_space<vmem>>) dst(%dma_wait3A_802 : memref<400x64xf32, #tpu.memory_space<hbm>>)
      %add3A_803 = arith.constant 4 : i32
      %add3A_804 = arith.addi %add3A_798, %add3A_803 : i32
      %mul3A_805 = arith.constant 2 : i32
      %mul3A_806 = arith.muli %add3A_804, %mul3A_805 : i32
      %add3A_807 = arith.constant 0 : i32
      %add3A_808 = arith.addi %mul3A_806, %add3A_807 : i32
      %dma_start3A_809 = arith.constant 0 : i32
      %dma_start3A_810 = arith.constant 0 : i32
      %dma_start3A_811 = arith.constant 0 : i32
      %dma_start3A_812 = tpu.memref_slice %arg10[%dma_start3A_810, %dma_start3A_811] : memref<400x64xf32, #tpu.memory_space<vmem>> -> memref<100x64xf32, #tpu.memory_space<vmem>>
      %dma_start3A_813 = arith.constant 0 : i32
      %dma_start3A_814 = tpu.memref_slice %arg6[%add3A_808, %dma_start3A_809, %dma_start3A_813] : memref<128x2x100xi32, #tpu.memory_space<vmem>> -> memref<1x1x100xi32, #tpu.memory_space<vmem>>
      %dma_start3A_815 = tpu.memref_squeeze %dma_start3A_814 : memref<1x1x100xi32, #tpu.memory_space<vmem>> -> memref<100xi32, #tpu.memory_space<vmem>>
      %dma_start3A_816 = arith.constant 0 : i32
      %dma_start3A_817 = arith.constant 0 : i32
      %dma_start3A_818 = tpu.memref_slice %arg3[%dma_start3A_816, %dma_start3A_817] : memref<100x64xf32, #tpu.memory_space<hbm>> -> memref<100x64xf32, #tpu.memory_space<hbm>>
      tpu.enqueue_indirect_dma source(%dma_start3A_818 : memref<100x64xf32, #tpu.memory_space<hbm>>) target(%dma_start3A_812 : memref<100x64xf32, #tpu.memory_space<vmem>>) offsets(%dma_start3A_815 : memref<100xi32, #tpu.memory_space<vmem>>) semaphore(%arg14 : memref<!tpu.dma_semaphore, #tpu.memory_space<semaphore_mem>>)
      %dma_start3A_819 = arith.constant 1 : i32
      %dma_start3A_820 = arith.constant 100 : i32
      %dma_start3A_821 = arith.constant 0 : i32
      %dma_start3A_822 = tpu.memref_slice %arg10[%dma_start3A_820, %dma_start3A_821] : memref<400x64xf32, #tpu.memory_space<vmem>> -> memref<100x64xf32, #tpu.memory_space<vmem>>
      %dma_start3A_823 = arith.constant 0 : i32
      %dma_start3A_824 = tpu.memref_slice %arg6[%add3A_808, %dma_start3A_819, %dma_start3A_823] : memref<128x2x100xi32, #tpu.memory_space<vmem>> -> memref<1x1x100xi32, #tpu.memory_space<vmem>>
      %dma_start3A_825 = tpu.memref_squeeze %dma_start3A_824 : memref<1x1x100xi32, #tpu.memory_space<vmem>> -> memref<100xi32, #tpu.memory_space<vmem>>
      %dma_start3A_826 = arith.constant 0 : i32
      %dma_start3A_827 = arith.constant 0 : i32
      %dma_start3A_828 = tpu.memref_slice %arg4[%dma_start3A_826, %dma_start3A_827] : memref<100000x64xf32, #tpu.memory_space<hbm>> -> memref<100000x64xf32, #tpu.memory_space<hbm>>
      tpu.enqueue_indirect_dma source(%dma_start3A_828 : memref<100000x64xf32, #tpu.memory_space<hbm>>) target(%dma_start3A_822 : memref<100x64xf32, #tpu.memory_space<vmem>>) offsets(%dma_start3A_825 : memref<100xi32, #tpu.memory_space<vmem>>) semaphore(%arg14 : memref<!tpu.dma_semaphore, #tpu.memory_space<semaphore_mem>>)
      %mul3A_829 = arith.constant 2 : i32
      %mul3A_830 = arith.muli %add3A_804, %mul3A_829 : i32
      %add3A_831 = arith.constant 1 : i32
      %add3A_832 = arith.addi %mul3A_830, %add3A_831 : i32
      %dma_start3A_833 = arith.constant 0 : i32
      %dma_start3A_834 = arith.constant 200 : i32
      %dma_start3A_835 = arith.constant 0 : i32
      %dma_start3A_836 = tpu.memref_slice %arg10[%dma_start3A_834, %dma_start3A_835] : memref<400x64xf32, #tpu.memory_space<vmem>> -> memref<100x64xf32, #tpu.memory_space<vmem>>
      %dma_start3A_837 = arith.constant 0 : i32
      %dma_start3A_838 = tpu.memref_slice %arg6[%add3A_832, %dma_start3A_833, %dma_start3A_837] : memref<128x2x100xi32, #tpu.memory_space<vmem>> -> memref<1x1x100xi32, #tpu.memory_space<vmem>>
      %dma_start3A_839 = tpu.memref_squeeze %dma_start3A_838 : memref<1x1x100xi32, #tpu.memory_space<vmem>> -> memref<100xi32, #tpu.memory_space<vmem>>
      %dma_start3A_840 = arith.constant 0 : i32
      %dma_start3A_841 = arith.constant 0 : i32
      %dma_start3A_842 = tpu.memref_slice %arg3[%dma_start3A_840, %dma_start3A_841] : memref<100x64xf32, #tpu.memory_space<hbm>> -> memref<100x64xf32, #tpu.memory_space<hbm>>
      tpu.enqueue_indirect_dma source(%dma_start3A_842 : memref<100x64xf32, #tpu.memory_space<hbm>>) target(%dma_start3A_836 : memref<100x64xf32, #tpu.memory_space<vmem>>) offsets(%dma_start3A_839 : memref<100xi32, #tpu.memory_space<vmem>>) semaphore(%arg14 : memref<!tpu.dma_semaphore, #tpu.memory_space<semaphore_mem>>)
      %dma_start3A_843 = arith.constant 1 : i32
      %dma_start3A_844 = arith.constant 300 : i32
      %dma_start3A_845 = arith.constant 0 : i32
      %dma_start3A_846 = tpu.memref_slice %arg10[%dma_start3A_844, %dma_start3A_845] : memref<400x64xf32, #tpu.memory_space<vmem>> -> memref<100x64xf32, #tpu.memory_space<vmem>>
      %dma_start3A_847 = arith.constant 0 : i32
      %dma_start3A_848 = tpu.memref_slice %arg6[%add3A_832, %dma_start3A_843, %dma_start3A_847] : memref<128x2x100xi32, #tpu.memory_space<vmem>> -> memref<1x1x100xi32, #tpu.memory_space<vmem>>
      %dma_start3A_849 = tpu.memref_squeeze %dma_start3A_848 : memref<1x1x100xi32, #tpu.memory_space<vmem>> -> memref<100xi32, #tpu.memory_space<vmem>>
      %dma_start3A_850 = arith.constant 0 : i32
      %dma_start3A_851 = arith.constant 0 : i32
      %dma_start3A_852 = tpu.memref_slice %arg4[%dma_start3A_850, %dma_start3A_851] : memref<100000x64xf32, #tpu.memory_space<hbm>> -> memref<100000x64xf32, #tpu.memory_space<hbm>>
      tpu.enqueue_indirect_dma source(%dma_start3A_852 : memref<100000x64xf32, #tpu.memory_space<hbm>>) target(%dma_start3A_846 : memref<100x64xf32, #tpu.memory_space<vmem>>) offsets(%dma_start3A_849 : memref<100xi32, #tpu.memory_space<vmem>>) semaphore(%arg14 : memref<!tpu.dma_semaphore, #tpu.memory_space<semaphore_mem>>)
    }
    %scan3A_184 = arith.constant 15 : i32
    %dma_wait3A = arith.constant 0 : i32
    %dma_wait3A_185 = arith.constant 0 : i32
    %dma_wait3A_186 = arith.constant 0 : i32
    %dma_wait3A_187 = arith.constant 0 : i32
    %dma_wait3A_188 = tpu.memref_slice %arg7[%dma_wait3A_186, %dma_wait3A_187] : memref<400x64xf32, #tpu.memory_space<vmem>> -> memref<100x64xf32, #tpu.memory_space<vmem>>
    %dma_wait3A_189 = arith.constant 0 : i32
    %dma_wait3A_190 = tpu.memref_slice %arg6[%dma_wait3A, %dma_wait3A_185, %dma_wait3A_189] : memref<128x2x100xi32, #tpu.memory_space<vmem>> -> memref<1x1x100xi32, #tpu.memory_space<vmem>>
    %dma_wait3A_191 = tpu.memref_squeeze %dma_wait3A_190 : memref<1x1x100xi32, #tpu.memory_space<vmem>> -> memref<100xi32, #tpu.memory_space<vmem>>
    %dma_wait3A_192 = arith.constant 0 : i32
    %dma_wait3A_193 = arith.constant 0 : i32
    %dma_wait3A_194 = tpu.memref_slice %arg3[%dma_wait3A_192, %dma_wait3A_193] : memref<100x64xf32, #tpu.memory_space<hbm>> -> memref<100x64xf32, #tpu.memory_space<hbm>>
    tpu.wait_indirect_dma semaphore(%arg11 : memref<!tpu.dma_semaphore, #tpu.memory_space<semaphore_mem>>) src(%dma_wait3A_194 : memref<100x64xf32, #tpu.memory_space<hbm>>) dst(%dma_wait3A_188 : memref<100x64xf32, #tpu.memory_space<vmem>>)
    %dma_wait3A_195 = arith.constant 0 : i32
    %dma_wait3A_196 = arith.constant 1 : i32
    %dma_wait3A_197 = arith.constant 100 : i32
    %dma_wait3A_198 = arith.constant 0 : i32
    %dma_wait3A_199 = tpu.memref_slice %arg7[%dma_wait3A_197, %dma_wait3A_198] : memref<400x64xf32, #tpu.memory_space<vmem>> -> memref<100x64xf32, #tpu.memory_space<vmem>>
    %dma_wait3A_200 = arith.constant 0 : i32
    %dma_wait3A_201 = tpu.memref_slice %arg6[%dma_wait3A_195, %dma_wait3A_196, %dma_wait3A_200] : memref<128x2x100xi32, #tpu.memory_space<vmem>> -> memref<1x1x100xi32, #tpu.memory_space<vmem>>
    %dma_wait3A_202 = tpu.memref_squeeze %dma_wait3A_201 : memref<1x1x100xi32, #tpu.memory_space<vmem>> -> memref<100xi32, #tpu.memory_space<vmem>>
    %dma_wait3A_203 = arith.constant 0 : i32
    %dma_wait3A_204 = arith.constant 0 : i32
    %dma_wait3A_205 = tpu.memref_slice %arg4[%dma_wait3A_203, %dma_wait3A_204] : memref<100000x64xf32, #tpu.memory_space<hbm>> -> memref<100000x64xf32, #tpu.memory_space<hbm>>
    tpu.wait_indirect_dma semaphore(%arg11 : memref<!tpu.dma_semaphore, #tpu.memory_space<semaphore_mem>>) src(%dma_wait3A_205 : memref<100000x64xf32, #tpu.memory_space<hbm>>) dst(%dma_wait3A_199 : memref<100x64xf32, #tpu.memory_space<vmem>>)
    %dma_wait3A_206 = arith.constant 0 : i32
    %dma_wait3A_207 = arith.constant 0 : i32
    %dma_wait3A_208 = arith.constant 200 : i32
    %dma_wait3A_209 = arith.constant 0 : i32
    %dma_wait3A_210 = tpu.memref_slice %arg7[%dma_wait3A_208, %dma_wait3A_209] : memref<400x64xf32, #tpu.memory_space<vmem>> -> memref<100x64xf32, #tpu.memory_space<vmem>>
    %dma_wait3A_211 = arith.constant 0 : i32
    %dma_wait3A_212 = tpu.memref_slice %arg6[%dma_wait3A_206, %dma_wait3A_207, %dma_wait3A_211] : memref<128x2x100xi32, #tpu.memory_space<vmem>> -> memref<1x1x100xi32, #tpu.memory_space<vmem>>
    %dma_wait3A_213 = tpu.memref_squeeze %dma_wait3A_212 : memref<1x1x100xi32, #tpu.memory_space<vmem>> -> memref<100xi32, #tpu.memory_space<vmem>>
    %dma_wait3A_214 = arith.constant 0 : i32
    %dma_wait3A_215 = arith.constant 0 : i32
    %dma_wait3A_216 = tpu.memref_slice %arg3[%dma_wait3A_214, %dma_wait3A_215] : memref<100x64xf32, #tpu.memory_space<hbm>> -> memref<100x64xf32, #tpu.memory_space<hbm>>
    tpu.wait_indirect_dma semaphore(%arg11 : memref<!tpu.dma_semaphore, #tpu.memory_space<semaphore_mem>>) src(%dma_wait3A_216 : memref<100x64xf32, #tpu.memory_space<hbm>>) dst(%dma_wait3A_210 : memref<100x64xf32, #tpu.memory_space<vmem>>)
    %dma_wait3A_217 = arith.constant 0 : i32
    %dma_wait3A_218 = arith.constant 1 : i32
    %dma_wait3A_219 = arith.constant 300 : i32
    %dma_wait3A_220 = arith.constant 0 : i32
    %dma_wait3A_221 = tpu.memref_slice %arg7[%dma_wait3A_219, %dma_wait3A_220] : memref<400x64xf32, #tpu.memory_space<vmem>> -> memref<100x64xf32, #tpu.memory_space<vmem>>
    %dma_wait3A_222 = arith.constant 0 : i32
    %dma_wait3A_223 = tpu.memref_slice %arg6[%dma_wait3A_217, %dma_wait3A_218, %dma_wait3A_222] : memref<128x2x100xi32, #tpu.memory_space<vmem>> -> memref<1x1x100xi32, #tpu.memory_space<vmem>>
    %dma_wait3A_224 = tpu.memref_squeeze %dma_wait3A_223 : memref<1x1x100xi32, #tpu.memory_space<vmem>> -> memref<100xi32, #tpu.memory_space<vmem>>
    %dma_wait3A_225 = arith.constant 0 : i32
    %dma_wait3A_226 = arith.constant 0 : i32
    %dma_wait3A_227 = tpu.memref_slice %arg4[%dma_wait3A_225, %dma_wait3A_226] : memref<100000x64xf32, #tpu.memory_space<hbm>> -> memref<100000x64xf32, #tpu.memory_space<hbm>>
    tpu.wait_indirect_dma semaphore(%arg11 : memref<!tpu.dma_semaphore, #tpu.memory_space<semaphore_mem>>) src(%dma_wait3A_227 : memref<100000x64xf32, #tpu.memory_space<hbm>>) dst(%dma_wait3A_221 : memref<100x64xf32, #tpu.memory_space<vmem>>)
    %add3A_228 = arith.constant 24000 : i32
    %add3A_229 = arith.addi %mul3A_4, %add3A_228 : i32
    %dma_start3A_230 = arith.constant 0 : i32
    %dma_start3A_231 = tpu.memref_slice %arg5[%add3A_229, %dma_start3A_230] : memref<819200x64xf32, #tpu.memory_space<hbm>> -> memref<400x64xf32, #tpu.memory_space<hbm>>
    %dma_start3A_232 = arith.constant 0 : i32
    %dma_start3A_233 = tpu.memref_slice %arg5[%add3A_229, %dma_start3A_232] : memref<819200x64xf32, #tpu.memory_space<hbm>> -> memref<400x64xf32, #tpu.memory_space<hbm>>
    tpu.enqueue_dma source(%arg7 : memref<400x64xf32, #tpu.memory_space<vmem>>) target(%dma_start3A_233 : memref<400x64xf32, #tpu.memory_space<hbm>>) target_semaphore(%arg15 : memref<!tpu.dma_semaphore, #tpu.memory_space<semaphore_mem>>)
    %dma_wait3A_234 = arith.constant 0 : i32
    %dma_wait3A_235 = arith.constant 0 : i32
    %dma_wait3A_236 = arith.constant 0 : i32
    %dma_wait3A_237 = arith.constant 0 : i32
    %dma_wait3A_238 = tpu.memref_slice %arg8[%dma_wait3A_236, %dma_wait3A_237] : memref<400x64xf32, #tpu.memory_space<vmem>> -> memref<100x64xf32, #tpu.memory_space<vmem>>
    %dma_wait3A_239 = arith.constant 0 : i32
    %dma_wait3A_240 = tpu.memref_slice %arg6[%dma_wait3A_234, %dma_wait3A_235, %dma_wait3A_239] : memref<128x2x100xi32, #tpu.memory_space<vmem>> -> memref<1x1x100xi32, #tpu.memory_space<vmem>>
    %dma_wait3A_241 = tpu.memref_squeeze %dma_wait3A_240 : memref<1x1x100xi32, #tpu.memory_space<vmem>> -> memref<100xi32, #tpu.memory_space<vmem>>
    %dma_wait3A_242 = arith.constant 0 : i32
    %dma_wait3A_243 = arith.constant 0 : i32
    %dma_wait3A_244 = tpu.memref_slice %arg3[%dma_wait3A_242, %dma_wait3A_243] : memref<100x64xf32, #tpu.memory_space<hbm>> -> memref<100x64xf32, #tpu.memory_space<hbm>>
    tpu.wait_indirect_dma semaphore(%arg12 : memref<!tpu.dma_semaphore, #tpu.memory_space<semaphore_mem>>) src(%dma_wait3A_244 : memref<100x64xf32, #tpu.memory_space<hbm>>) dst(%dma_wait3A_238 : memref<100x64xf32, #tpu.memory_space<vmem>>)
    %dma_wait3A_245 = arith.constant 0 : i32
    %dma_wait3A_246 = arith.constant 1 : i32
    %dma_wait3A_247 = arith.constant 100 : i32
    %dma_wait3A_248 = arith.constant 0 : i32
    %dma_wait3A_249 = tpu.memref_slice %arg8[%dma_wait3A_247, %dma_wait3A_248] : memref<400x64xf32, #tpu.memory_space<vmem>> -> memref<100x64xf32, #tpu.memory_space<vmem>>
    %dma_wait3A_250 = arith.constant 0 : i32
    %dma_wait3A_251 = tpu.memref_slice %arg6[%dma_wait3A_245, %dma_wait3A_246, %dma_wait3A_250] : memref<128x2x100xi32, #tpu.memory_space<vmem>> -> memref<1x1x100xi32, #tpu.memory_space<vmem>>
    %dma_wait3A_252 = tpu.memref_squeeze %dma_wait3A_251 : memref<1x1x100xi32, #tpu.memory_space<vmem>> -> memref<100xi32, #tpu.memory_space<vmem>>
    %dma_wait3A_253 = arith.constant 0 : i32
    %dma_wait3A_254 = arith.constant 0 : i32
    %dma_wait3A_255 = tpu.memref_slice %arg4[%dma_wait3A_253, %dma_wait3A_254] : memref<100000x64xf32, #tpu.memory_space<hbm>> -> memref<100000x64xf32, #tpu.memory_space<hbm>>
    tpu.wait_indirect_dma semaphore(%arg12 : memref<!tpu.dma_semaphore, #tpu.memory_space<semaphore_mem>>) src(%dma_wait3A_255 : memref<100000x64xf32, #tpu.memory_space<hbm>>) dst(%dma_wait3A_249 : memref<100x64xf32, #tpu.memory_space<vmem>>)
    %dma_wait3A_256 = arith.constant 0 : i32
    %dma_wait3A_257 = arith.constant 0 : i32
    %dma_wait3A_258 = arith.constant 200 : i32
    %dma_wait3A_259 = arith.constant 0 : i32
    %dma_wait3A_260 = tpu.memref_slice %arg8[%dma_wait3A_258, %dma_wait3A_259] : memref<400x64xf32, #tpu.memory_space<vmem>> -> memref<100x64xf32, #tpu.memory_space<vmem>>
    %dma_wait3A_261 = arith.constant 0 : i32
    %dma_wait3A_262 = tpu.memref_slice %arg6[%dma_wait3A_256, %dma_wait3A_257, %dma_wait3A_261] : memref<128x2x100xi32, #tpu.memory_space<vmem>> -> memref<1x1x100xi32, #tpu.memory_space<vmem>>
    %dma_wait3A_263 = tpu.memref_squeeze %dma_wait3A_262 : memref<1x1x100xi32, #tpu.memory_space<vmem>> -> memref<100xi32, #tpu.memory_space<vmem>>
    %dma_wait3A_264 = arith.constant 0 : i32
    %dma_wait3A_265 = arith.constant 0 : i32
    %dma_wait3A_266 = tpu.memref_slice %arg3[%dma_wait3A_264, %dma_wait3A_265] : memref<100x64xf32, #tpu.memory_space<hbm>> -> memref<100x64xf32, #tpu.memory_space<hbm>>
    tpu.wait_indirect_dma semaphore(%arg12 : memref<!tpu.dma_semaphore, #tpu.memory_space<semaphore_mem>>) src(%dma_wait3A_266 : memref<100x64xf32, #tpu.memory_space<hbm>>) dst(%dma_wait3A_260 : memref<100x64xf32, #tpu.memory_space<vmem>>)
    %dma_wait3A_267 = arith.constant 0 : i32
    %dma_wait3A_268 = arith.constant 1 : i32
    %dma_wait3A_269 = arith.constant 300 : i32
    %dma_wait3A_270 = arith.constant 0 : i32
    %dma_wait3A_271 = tpu.memref_slice %arg8[%dma_wait3A_269, %dma_wait3A_270] : memref<400x64xf32, #tpu.memory_space<vmem>> -> memref<100x64xf32, #tpu.memory_space<vmem>>
    %dma_wait3A_272 = arith.constant 0 : i32
    %dma_wait3A_273 = tpu.memref_slice %arg6[%dma_wait3A_267, %dma_wait3A_268, %dma_wait3A_272] : memref<128x2x100xi32, #tpu.memory_space<vmem>> -> memref<1x1x100xi32, #tpu.memory_space<vmem>>
    %dma_wait3A_274 = tpu.memref_squeeze %dma_wait3A_273 : memref<1x1x100xi32, #tpu.memory_space<vmem>> -> memref<100xi32, #tpu.memory_space<vmem>>
    %dma_wait3A_275 = arith.constant 0 : i32
    %dma_wait3A_276 = arith.constant 0 : i32
    %dma_wait3A_277 = tpu.memref_slice %arg4[%dma_wait3A_275, %dma_wait3A_276] : memref<100000x64xf32, #tpu.memory_space<hbm>> -> memref<100000x64xf32, #tpu.memory_space<hbm>>
    tpu.wait_indirect_dma semaphore(%arg12 : memref<!tpu.dma_semaphore, #tpu.memory_space<semaphore_mem>>) src(%dma_wait3A_277 : memref<100000x64xf32, #tpu.memory_space<hbm>>) dst(%dma_wait3A_271 : memref<100x64xf32, #tpu.memory_space<vmem>>)
    %add3A_278 = arith.constant 24400 : i32
    %add3A_279 = arith.addi %mul3A_4, %add3A_278 : i32
    %dma_start3A_280 = arith.constant 0 : i32
    %dma_start3A_281 = tpu.memref_slice %arg5[%add3A_279, %dma_start3A_280] : memref<819200x64xf32, #tpu.memory_space<hbm>> -> memref<400x64xf32, #tpu.memory_space<hbm>>
    %dma_start3A_282 = arith.constant 0 : i32
    %dma_start3A_283 = tpu.memref_slice %arg5[%add3A_279, %dma_start3A_282] : memref<819200x64xf32, #tpu.memory_space<hbm>> -> memref<400x64xf32, #tpu.memory_space<hbm>>
    tpu.enqueue_dma source(%arg8 : memref<400x64xf32, #tpu.memory_space<vmem>>) target(%dma_start3A_283 : memref<400x64xf32, #tpu.memory_space<hbm>>) target_semaphore(%arg16 : memref<!tpu.dma_semaphore, #tpu.memory_space<semaphore_mem>>)
    %dma_wait3A_284 = arith.constant 0 : i32
    %dma_wait3A_285 = arith.constant 0 : i32
    %dma_wait3A_286 = arith.constant 0 : i32
    %dma_wait3A_287 = arith.constant 0 : i32
    %dma_wait3A_288 = tpu.memref_slice %arg9[%dma_wait3A_286, %dma_wait3A_287] : memref<400x64xf32, #tpu.memory_space<vmem>> -> memref<100x64xf32, #tpu.memory_space<vmem>>
    %dma_wait3A_289 = arith.constant 0 : i32
    %dma_wait3A_290 = tpu.memref_slice %arg6[%dma_wait3A_284, %dma_wait3A_285, %dma_wait3A_289] : memref<128x2x100xi32, #tpu.memory_space<vmem>> -> memref<1x1x100xi32, #tpu.memory_space<vmem>>
    %dma_wait3A_291 = tpu.memref_squeeze %dma_wait3A_290 : memref<1x1x100xi32, #tpu.memory_space<vmem>> -> memref<100xi32, #tpu.memory_space<vmem>>
    %dma_wait3A_292 = arith.constant 0 : i32
    %dma_wait3A_293 = arith.constant 0 : i32
    %dma_wait3A_294 = tpu.memref_slice %arg3[%dma_wait3A_292, %dma_wait3A_293] : memref<100x64xf32, #tpu.memory_space<hbm>> -> memref<100x64xf32, #tpu.memory_space<hbm>>
    tpu.wait_indirect_dma semaphore(%arg13 : memref<!tpu.dma_semaphore, #tpu.memory_space<semaphore_mem>>) src(%dma_wait3A_294 : memref<100x64xf32, #tpu.memory_space<hbm>>) dst(%dma_wait3A_288 : memref<100x64xf32, #tpu.memory_space<vmem>>)
    %dma_wait3A_295 = arith.constant 0 : i32
    %dma_wait3A_296 = arith.constant 1 : i32
    %dma_wait3A_297 = arith.constant 100 : i32
    %dma_wait3A_298 = arith.constant 0 : i32
    %dma_wait3A_299 = tpu.memref_slice %arg9[%dma_wait3A_297, %dma_wait3A_298] : memref<400x64xf32, #tpu.memory_space<vmem>> -> memref<100x64xf32, #tpu.memory_space<vmem>>
    %dma_wait3A_300 = arith.constant 0 : i32
    %dma_wait3A_301 = tpu.memref_slice %arg6[%dma_wait3A_295, %dma_wait3A_296, %dma_wait3A_300] : memref<128x2x100xi32, #tpu.memory_space<vmem>> -> memref<1x1x100xi32, #tpu.memory_space<vmem>>
    %dma_wait3A_302 = tpu.memref_squeeze %dma_wait3A_301 : memref<1x1x100xi32, #tpu.memory_space<vmem>> -> memref<100xi32, #tpu.memory_space<vmem>>
    %dma_wait3A_303 = arith.constant 0 : i32
    %dma_wait3A_304 = arith.constant 0 : i32
    %dma_wait3A_305 = tpu.memref_slice %arg4[%dma_wait3A_303, %dma_wait3A_304] : memref<100000x64xf32, #tpu.memory_space<hbm>> -> memref<100000x64xf32, #tpu.memory_space<hbm>>
    tpu.wait_indirect_dma semaphore(%arg13 : memref<!tpu.dma_semaphore, #tpu.memory_space<semaphore_mem>>) src(%dma_wait3A_305 : memref<100000x64xf32, #tpu.memory_space<hbm>>) dst(%dma_wait3A_299 : memref<100x64xf32, #tpu.memory_space<vmem>>)
    %dma_wait3A_306 = arith.constant 0 : i32
    %dma_wait3A_307 = arith.constant 0 : i32
    %dma_wait3A_308 = arith.constant 200 : i32
    %dma_wait3A_309 = arith.constant 0 : i32
    %dma_wait3A_310 = tpu.memref_slice %arg9[%dma_wait3A_308, %dma_wait3A_309] : memref<400x64xf32, #tpu.memory_space<vmem>> -> memref<100x64xf32, #tpu.memory_space<vmem>>
    %dma_wait3A_311 = arith.constant 0 : i32
    %dma_wait3A_312 = tpu.memref_slice %arg6[%dma_wait3A_306, %dma_wait3A_307, %dma_wait3A_311] : memref<128x2x100xi32, #tpu.memory_space<vmem>> -> memref<1x1x100xi32, #tpu.memory_space<vmem>>
    %dma_wait3A_313 = tpu.memref_squeeze %dma_wait3A_312 : memref<1x1x100xi32, #tpu.memory_space<vmem>> -> memref<100xi32, #tpu.memory_space<vmem>>
    %dma_wait3A_314 = arith.constant 0 : i32
    %dma_wait3A_315 = arith.constant 0 : i32
    %dma_wait3A_316 = tpu.memref_slice %arg3[%dma_wait3A_314, %dma_wait3A_315] : memref<100x64xf32, #tpu.memory_space<hbm>> -> memref<100x64xf32, #tpu.memory_space<hbm>>
    tpu.wait_indirect_dma semaphore(%arg13 : memref<!tpu.dma_semaphore, #tpu.memory_space<semaphore_mem>>) src(%dma_wait3A_316 : memref<100x64xf32, #tpu.memory_space<hbm>>) dst(%dma_wait3A_310 : memref<100x64xf32, #tpu.memory_space<vmem>>)
    %dma_wait3A_317 = arith.constant 0 : i32
    %dma_wait3A_318 = arith.constant 1 : i32
    %dma_wait3A_319 = arith.constant 300 : i32
    %dma_wait3A_320 = arith.constant 0 : i32
    %dma_wait3A_321 = tpu.memref_slice %arg9[%dma_wait3A_319, %dma_wait3A_320] : memref<400x64xf32, #tpu.memory_space<vmem>> -> memref<100x64xf32, #tpu.memory_space<vmem>>
    %dma_wait3A_322 = arith.constant 0 : i32
    %dma_wait3A_323 = tpu.memref_slice %arg6[%dma_wait3A_317, %dma_wait3A_318, %dma_wait3A_322] : memref<128x2x100xi32, #tpu.memory_space<vmem>> -> memref<1x1x100xi32, #tpu.memory_space<vmem>>
    %dma_wait3A_324 = tpu.memref_squeeze %dma_wait3A_323 : memref<1x1x100xi32, #tpu.memory_space<vmem>> -> memref<100xi32, #tpu.memory_space<vmem>>
    %dma_wait3A_325 = arith.constant 0 : i32
    %dma_wait3A_326 = arith.constant 0 : i32
    %dma_wait3A_327 = tpu.memref_slice %arg4[%dma_wait3A_325, %dma_wait3A_326] : memref<100000x64xf32, #tpu.memory_space<hbm>> -> memref<100000x64xf32, #tpu.memory_space<hbm>>
    tpu.wait_indirect_dma semaphore(%arg13 : memref<!tpu.dma_semaphore, #tpu.memory_space<semaphore_mem>>) src(%dma_wait3A_327 : memref<100000x64xf32, #tpu.memory_space<hbm>>) dst(%dma_wait3A_321 : memref<100x64xf32, #tpu.memory_space<vmem>>)
    %add3A_328 = arith.constant 24800 : i32
    %add3A_329 = arith.addi %mul3A_4, %add3A_328 : i32
    %dma_start3A_330 = arith.constant 0 : i32
    %dma_start3A_331 = tpu.memref_slice %arg5[%add3A_329, %dma_start3A_330] : memref<819200x64xf32, #tpu.memory_space<hbm>> -> memref<400x64xf32, #tpu.memory_space<hbm>>
    %dma_start3A_332 = arith.constant 0 : i32
    %dma_start3A_333 = tpu.memref_slice %arg5[%add3A_329, %dma_start3A_332] : memref<819200x64xf32, #tpu.memory_space<hbm>> -> memref<400x64xf32, #tpu.memory_space<hbm>>
    tpu.enqueue_dma source(%arg9 : memref<400x64xf32, #tpu.memory_space<vmem>>) target(%dma_start3A_333 : memref<400x64xf32, #tpu.memory_space<hbm>>) target_semaphore(%arg17 : memref<!tpu.dma_semaphore, #tpu.memory_space<semaphore_mem>>)
    %dma_wait3A_334 = arith.constant 0 : i32
    %dma_wait3A_335 = arith.constant 0 : i32
    %dma_wait3A_336 = arith.constant 0 : i32
    %dma_wait3A_337 = arith.constant 0 : i32
    %dma_wait3A_338 = tpu.memref_slice %arg10[%dma_wait3A_336, %dma_wait3A_337] : memref<400x64xf32, #tpu.memory_space<vmem>> -> memref<100x64xf32, #tpu.memory_space<vmem>>
    %dma_wait3A_339 = arith.constant 0 : i32
    %dma_wait3A_340 = tpu.memref_slice %arg6[%dma_wait3A_334, %dma_wait3A_335, %dma_wait3A_339] : memref<128x2x100xi32, #tpu.memory_space<vmem>> -> memref<1x1x100xi32, #tpu.memory_space<vmem>>
    %dma_wait3A_341 = tpu.memref_squeeze %dma_wait3A_340 : memref<1x1x100xi32, #tpu.memory_space<vmem>> -> memref<100xi32, #tpu.memory_space<vmem>>
    %dma_wait3A_342 = arith.constant 0 : i32
    %dma_wait3A_343 = arith.constant 0 : i32
    %dma_wait3A_344 = tpu.memref_slice %arg3[%dma_wait3A_342, %dma_wait3A_343] : memref<100x64xf32, #tpu.memory_space<hbm>> -> memref<100x64xf32, #tpu.memory_space<hbm>>
    tpu.wait_indirect_dma semaphore(%arg14 : memref<!tpu.dma_semaphore, #tpu.memory_space<semaphore_mem>>) src(%dma_wait3A_344 : memref<100x64xf32, #tpu.memory_space<hbm>>) dst(%dma_wait3A_338 : memref<100x64xf32, #tpu.memory_space<vmem>>)
    %dma_wait3A_345 = arith.constant 0 : i32
    %dma_wait3A_346 = arith.constant 1 : i32
    %dma_wait3A_347 = arith.constant 100 : i32
    %dma_wait3A_348 = arith.constant 0 : i32
    %dma_wait3A_349 = tpu.memref_slice %arg10[%dma_wait3A_347, %dma_wait3A_348] : memref<400x64xf32, #tpu.memory_space<vmem>> -> memref<100x64xf32, #tpu.memory_space<vmem>>
    %dma_wait3A_350 = arith.constant 0 : i32
    %dma_wait3A_351 = tpu.memref_slice %arg6[%dma_wait3A_345, %dma_wait3A_346, %dma_wait3A_350] : memref<128x2x100xi32, #tpu.memory_space<vmem>> -> memref<1x1x100xi32, #tpu.memory_space<vmem>>
    %dma_wait3A_352 = tpu.memref_squeeze %dma_wait3A_351 : memref<1x1x100xi32, #tpu.memory_space<vmem>> -> memref<100xi32, #tpu.memory_space<vmem>>
    %dma_wait3A_353 = arith.constant 0 : i32
    %dma_wait3A_354 = arith.constant 0 : i32
    %dma_wait3A_355 = tpu.memref_slice %arg4[%dma_wait3A_353, %dma_wait3A_354] : memref<100000x64xf32, #tpu.memory_space<hbm>> -> memref<100000x64xf32, #tpu.memory_space<hbm>>
    tpu.wait_indirect_dma semaphore(%arg14 : memref<!tpu.dma_semaphore, #tpu.memory_space<semaphore_mem>>) src(%dma_wait3A_355 : memref<100000x64xf32, #tpu.memory_space<hbm>>) dst(%dma_wait3A_349 : memref<100x64xf32, #tpu.memory_space<vmem>>)
    %dma_wait3A_356 = arith.constant 0 : i32
    %dma_wait3A_357 = arith.constant 0 : i32
    %dma_wait3A_358 = arith.constant 200 : i32
    %dma_wait3A_359 = arith.constant 0 : i32
    %dma_wait3A_360 = tpu.memref_slice %arg10[%dma_wait3A_358, %dma_wait3A_359] : memref<400x64xf32, #tpu.memory_space<vmem>> -> memref<100x64xf32, #tpu.memory_space<vmem>>
    %dma_wait3A_361 = arith.constant 0 : i32
    %dma_wait3A_362 = tpu.memref_slice %arg6[%dma_wait3A_356, %dma_wait3A_357, %dma_wait3A_361] : memref<128x2x100xi32, #tpu.memory_space<vmem>> -> memref<1x1x100xi32, #tpu.memory_space<vmem>>
    %dma_wait3A_363 = tpu.memref_squeeze %dma_wait3A_362 : memref<1x1x100xi32, #tpu.memory_space<vmem>> -> memref<100xi32, #tpu.memory_space<vmem>>
    %dma_wait3A_364 = arith.constant 0 : i32
    %dma_wait3A_365 = arith.constant 0 : i32
    %dma_wait3A_366 = tpu.memref_slice %arg3[%dma_wait3A_364, %dma_wait3A_365] : memref<100x64xf32, #tpu.memory_space<hbm>> -> memref<100x64xf32, #tpu.memory_space<hbm>>
    tpu.wait_indirect_dma semaphore(%arg14 : memref<!tpu.dma_semaphore, #tpu.memory_space<semaphore_mem>>) src(%dma_wait3A_366 : memref<100x64xf32, #tpu.memory_space<hbm>>) dst(%dma_wait3A_360 : memref<100x64xf32, #tpu.memory_space<vmem>>)
    %dma_wait3A_367 = arith.constant 0 : i32
    %dma_wait3A_368 = arith.constant 1 : i32
    %dma_wait3A_369 = arith.constant 300 : i32
    %dma_wait3A_370 = arith.constant 0 : i32
    %dma_wait3A_371 = tpu.memref_slice %arg10[%dma_wait3A_369, %dma_wait3A_370] : memref<400x64xf32, #tpu.memory_space<vmem>> -> memref<100x64xf32, #tpu.memory_space<vmem>>
    %dma_wait3A_372 = arith.constant 0 : i32
    %dma_wait3A_373 = tpu.memref_slice %arg6[%dma_wait3A_367, %dma_wait3A_368, %dma_wait3A_372] : memref<128x2x100xi32, #tpu.memory_space<vmem>> -> memref<1x1x100xi32, #tpu.memory_space<vmem>>
    %dma_wait3A_374 = tpu.memref_squeeze %dma_wait3A_373 : memref<1x1x100xi32, #tpu.memory_space<vmem>> -> memref<100xi32, #tpu.memory_space<vmem>>
    %dma_wait3A_375 = arith.constant 0 : i32
    %dma_wait3A_376 = arith.constant 0 : i32
    %dma_wait3A_377 = tpu.memref_slice %arg4[%dma_wait3A_375, %dma_wait3A_376] : memref<100000x64xf32, #tpu.memory_space<hbm>> -> memref<100000x64xf32, #tpu.memory_space<hbm>>
    tpu.wait_indirect_dma semaphore(%arg14 : memref<!tpu.dma_semaphore, #tpu.memory_space<semaphore_mem>>) src(%dma_wait3A_377 : memref<100000x64xf32, #tpu.memory_space<hbm>>) dst(%dma_wait3A_371 : memref<100x64xf32, #tpu.memory_space<vmem>>)
    %add3A_378 = arith.constant 25200 : i32
    %add3A_379 = arith.addi %mul3A_4, %add3A_378 : i32
    %dma_start3A_380 = arith.constant 0 : i32
    %dma_start3A_381 = tpu.memref_slice %arg5[%add3A_379, %dma_start3A_380] : memref<819200x64xf32, #tpu.memory_space<hbm>> -> memref<400x64xf32, #tpu.memory_space<hbm>>
    %dma_start3A_382 = arith.constant 0 : i32
    %dma_start3A_383 = tpu.memref_slice %arg5[%add3A_379, %dma_start3A_382] : memref<819200x64xf32, #tpu.memory_space<hbm>> -> memref<400x64xf32, #tpu.memory_space<hbm>>
    tpu.enqueue_dma source(%arg10 : memref<400x64xf32, #tpu.memory_space<vmem>>) target(%dma_start3A_383 : memref<400x64xf32, #tpu.memory_space<hbm>>) target_semaphore(%arg18 : memref<!tpu.dma_semaphore, #tpu.memory_space<semaphore_mem>>)
    %dma_wait3A_384 = arith.constant 0 : i32
    %dma_wait3A_385 = tpu.memref_slice %arg5[%mul3A_4, %dma_wait3A_384] : memref<819200x64xf32, #tpu.memory_space<hbm>> -> memref<400x64xf32, #tpu.memory_space<hbm>>
    %dma_wait3A_386 = arith.constant 0 : i32
    %dma_wait3A_387 = tpu.memref_slice %arg5[%mul3A_4, %dma_wait3A_386] : memref<819200x64xf32, #tpu.memory_space<hbm>> -> memref<400x64xf32, #tpu.memory_space<hbm>>
    tpu.wait_dma2 semaphore(%arg15 : memref<!tpu.dma_semaphore, #tpu.memory_space<semaphore_mem>>) src(%arg7 : memref<400x64xf32, #tpu.memory_space<vmem>>) dst(%dma_wait3A_387 : memref<400x64xf32, #tpu.memory_space<hbm>>)
    %dma_wait3A_388 = arith.constant 0 : i32
    %dma_wait3A_389 = tpu.memref_slice %arg5[%mul3A_4, %dma_wait3A_388] : memref<819200x64xf32, #tpu.memory_space<hbm>> -> memref<400x64xf32, #tpu.memory_space<hbm>>
    %dma_wait3A_390 = arith.constant 0 : i32
    %dma_wait3A_391 = tpu.memref_slice %arg5[%mul3A_4, %dma_wait3A_390] : memref<819200x64xf32, #tpu.memory_space<hbm>> -> memref<400x64xf32, #tpu.memory_space<hbm>>
    tpu.wait_dma2 semaphore(%arg16 : memref<!tpu.dma_semaphore, #tpu.memory_space<semaphore_mem>>) src(%arg8 : memref<400x64xf32, #tpu.memory_space<vmem>>) dst(%dma_wait3A_391 : memref<400x64xf32, #tpu.memory_space<hbm>>)
    %dma_wait3A_392 = arith.constant 0 : i32
    %dma_wait3A_393 = tpu.memref_slice %arg5[%mul3A_4, %dma_wait3A_392] : memref<819200x64xf32, #tpu.memory_space<hbm>> -> memref<400x64xf32, #tpu.memory_space<hbm>>
    %dma_wait3A_394 = arith.constant 0 : i32
    %dma_wait3A_395 = tpu.memref_slice %arg5[%mul3A_4, %dma_wait3A_394] : memref<819200x64xf32, #tpu.memory_space<hbm>> -> memref<400x64xf32, #tpu.memory_space<hbm>>
    tpu.wait_dma2 semaphore(%arg17 : memref<!tpu.dma_semaphore, #tpu.memory_space<semaphore_mem>>) src(%arg9 : memref<400x64xf32, #tpu.memory_space<vmem>>) dst(%dma_wait3A_395 : memref<400x64xf32, #tpu.memory_space<hbm>>)
    %dma_wait3A_396 = arith.constant 0 : i32
    %dma_wait3A_397 = tpu.memref_slice %arg5[%mul3A_4, %dma_wait3A_396] : memref<819200x64xf32, #tpu.memory_space<hbm>> -> memref<400x64xf32, #tpu.memory_space<hbm>>
    %dma_wait3A_398 = arith.constant 0 : i32
    %dma_wait3A_399 = tpu.memref_slice %arg5[%mul3A_4, %dma_wait3A_398] : memref<819200x64xf32, #tpu.memory_space<hbm>> -> memref<400x64xf32, #tpu.memory_space<hbm>>
    tpu.wait_dma2 semaphore(%arg18 : memref<!tpu.dma_semaphore, #tpu.memory_space<semaphore_mem>>) src(%arg10 : memref<400x64xf32, #tpu.memory_space<vmem>>) dst(%dma_wait3A_399 : memref<400x64xf32, #tpu.memory_space<hbm>>)
    return
  }
}

</mosaic_0001>

<sc_bundles>
// kernel: kernel.3.cloned.1.call-start
scs
__scs_entry_jumppad:
0x0: {  	(pc) =	sbr.rel $0x88, $3  }
0x1: {  	(tag) =	ssettag $0x0;
	lr =	simm.s32 $0x1  }
0x2: {  	[smem:$0x3F9E] =	sst lr;
	_ =	strace $0xD0000000  }
0x3: {  	_ = 	snop  }
0x4: {  	_ = 	snop  }
0x5: {  	_ = 	snop  }
0x6: {  	_ = 	snop  }
0x7: {  	_ = 	snop  }
__scs_overlays_trampoline_lowered:
0x8: {  	[smem:$0x3FAD] =	sst s0  }
0x9: {  	[smem:$0x3FAE] =	sst s1  }
0xa: {  	[smem:$0x3FAF] =	sst s2  }
0xb: {  	[smem:$0x3FB0] =	sst s3  }
0xc: {  	[smem:$0x3FB1] =	sst s4  }
0xd: {  	[smem:$0x3FB2] =	sst s5  }
0xe: {  	[smem:$0x3FB3] =	sst s6  }
0xf: {  	[smem:$0x3FB4] =	sst s7  }
0x10: {  	[smem:$0x3FB5] =	sst s8  }
0x11: {  	[smem:$0x3FB6] =	sst s9;
	s0 =	simm.s32 @!p0 $0x0  }
0x12: {  	s1 =	sld [smem:$0x3F9C];
	s0 =	simm.s32 @p0 $0x1  }
0x13: {  	[smem:$0x3FB7] =	sst s0;
	s0 =	simm.s32 @!p1 $0x0  }
0x14: {  	s2 =	sld [smem:$0x3F9B];
	s0 =	simm.s32 @p1 $0x1  }
0x15: {  	[smem:$0x3FB8] =	sst s0;
	s0 =	simm.s32 @!p2 $0x0  }
0x16: {  	s3 =	sld [smem:$0x3FDB];
	s0 =	simm.s32 @p2 $0x1  }
0x17: {  	s4 =	simm.s32 $0x1BF5;
	[smem:$0x3FBA] =	sst s0  }
0x18: {  	s0 =	sld [smem:$0x3F9D];
	_ =	swait.ge [sflag:s4], $0x0  }
0x19: {  	s7 =	sld [smem:$0x3F9E]  }
0x1a: {  	s8 =	sadd.s32 $0xFFFFE003, lr  }
0x1b: {  	s9 =	sadd.s32 $0xFFFFFEF7, lr;
	s5 =	simm.s32 $0xFFFFFFFF;
	p2 =	slt.u32 s8, $0xFFFFF086  }
0x1c: {  	p1 =	slt.u32 s9, $0xF7A;
	s5 =	simm.s32 @!p2 $0x0  }
0x1d: {  	s5 =	simm.s32 @p1 $0x1;
	p0 =	seq.s32 s7, s2  }
0x1e: {  	s7 =	smul.u32 @!p0 $0xF7A, s2;
	p2 =	seq.s32 @!p0 s5, $0x0  }
0x1f: {  	s9 =	smul.u32 $0xF7A, s1;
	s8 =	simm.s32 @!p0 $0x1BF5;
	p2 =	por !p2, p0  }
0x20: {  	[sflag:s8] =	ssyncset.s32 @!p0 $0xFFFFF086;
	s6 =	sadd.s32 @!p0 s3, s7;
	s7 =	simm.s32 @!p0 $0x108  }
0x21: {  	s3 =	sadd.s32 s3, s9;
	s6 =	sadd.s32 @!p0 $0x88, s6;
	s7 =	simm.s32 @p2 $0x1082  }
0x22: {  	[simem:s7], [sflag:s8] =	dma.local @!p0 [hbm:s6], $0xF7A  }
0x23: {  	s9 =	sor.u32 $0xD0000000, s2;
	s6 =	simm.s32 $0x108;
	_ =	swait.ge @!p0 [sflag:s8], $0x0  }
0x24: {  	s3 =	sadd.s32 $0x88, s3;
	s6 =	simm.s32 @!p1 $0x1082;
	[sflag:s4] =	ssyncset.s32 $0xFFFFF086  }
0x25: {  	[simem:s6], [sflag:s4] =	dma.local [hbm:s3], $0xF7A  }
0x26: {  	[smem:$0x3F9E] =	sst s1;
	(tag) =	ssettag s2;
	_ =	strace s9  }
0x27: {  	s1 =	sld [smem:$0x3FAE]  }
0x28: {  	s2 =	sld [smem:$0x3FAF]  }
0x29: {  	s4 =	sld [smem:$0x3FB1]  }
0x2a: {  	p0 =	seq.s32 s5, $0x0;
	s5 =	sld [smem:$0x3FB2]  }
0x2b: {  	s6 =	sld [smem:$0x3FB3]  }
0x2c: {  	s7 =	sld [smem:$0x3FB4]  }
0x2d: {  	s3 =	simm.s32 $0x108;
	s8 =	sld [smem:$0x3FB5]  }
0x2e: {  	s3 =	simm.s32 @!p0 $0x1082;
	s9 =	sld [smem:$0x3FB6]  }
0x2f: {  	lr =	sadd.s32 s0, s3;
	s0 =	sld [smem:$0x3FAD]  }
0x30: {  	s3 =	sld [smem:$0x3FB0]  }
0x31: {  	[smem:$0x3FB9] =	sst s10  }
0x32: {  	s10 =	sld [smem:$0x3FB7];
	_ =	sdelay $0x3  }
0x33: {  	p0 =	seq.s32 s10, $0x1;
	s10 =	sld [smem:$0x3FB9];
	_ =	sdelay $0x3  }
0x34: {  	[smem:$0x3FB9] =	sst s10  }
0x35: {  	s10 =	sld [smem:$0x3FB8];
	_ =	sdelay $0x3  }
0x36: {  	p1 =	seq.s32 s10, $0x1;
	s10 =	sld [smem:$0x3FB9];
	_ =	sdelay $0x3  }
0x37: {  	[smem:$0x3FB9] =	sst s10  }
0x38: {  	s10 =	sld [smem:$0x3FBA]  }
0x39: {  	_ = 	snop;
	(pc) =	sbr.ind lr, $3  }
0x3a: {  	_ = 	snop  }
0x3b: {  	_ = 	snop  }
0x3c: {  	p2 =	seq.s32 s10, $0x1;
	s10 =	sld [smem:$0x3FB9]  }
0x3d: {  	_ =	shalt  }
0x3e: {  	_ =	shalt  }
0x3f: {  	_ =	shalt  }
0x40: {  	_ =	shalt  }
0x41: {  	_ =	shalt  }
0x42: {  	_ =	shalt  }
0x43: {  	_ =	shalt  }
0x44: {  	_ =	shalt  }
0x45: {  	_ =	shalt  }
0x46: {  	_ =	shalt  }
0x47: {  	_ =	shalt  }
0x48: {  	_ =	shalt  }
0x49: {  	_ =	shalt  }
0x4a: {  	_ =	shalt  }
0x4b: {  	_ =	shalt  }
0x4c: {  	_ =	shalt  }
0x4d: {  	_ =	shalt  }
0x4e: {  	_ =	shalt  }
0x4f: {  	_ =	shalt  }
0x50: {  	_ =	shalt  }
0x51: {  	_ =	shalt  }
0x52: {  	_ =	shalt  }
0x53: {  	_ =	shalt  }
0x54: {  	_ =	shalt  }
0x55: {  	_ =	shalt  }
0x56: {  	_ =	shalt  }
0x57: {  	_ =	shalt  }
0x58: {  	_ =	shalt  }
0x59: {  	_ =	shalt  }
0x5a: {  	_ =	shalt  }
0x5b: {  	_ =	shalt  }
0x5c: {  	_ =	shalt  }
0x5d: {  	_ =	shalt  }
0x5e: {  	_ =	shalt  }
0x5f: {  	_ =	shalt  }
0x60: {  	_ =	shalt  }
0x61: {  	_ =	shalt  }
0x62: {  	_ =	shalt  }
0x63: {  	_ =	shalt  }
0x64: {  	_ =	shalt  }
0x65: {  	_ =	shalt  }
0x66: {  	_ =	shalt  }
0x67: {  	_ =	shalt  }
0x68: {  	_ =	shalt  }
0x69: {  	_ =	shalt  }
0x6a: {  	_ =	shalt  }
0x6b: {  	_ =	shalt  }
0x6c: {  	_ =	shalt  }
0x6d: {  	_ =	shalt  }
0x6e: {  	_ =	shalt  }
0x6f: {  	_ =	shalt  }
0x70: {  	_ =	shalt  }
0x71: {  	_ =	shalt  }
0x72: {  	_ =	shalt  }
0x73: {  	_ =	shalt  }
0x74: {  	_ =	shalt  }
0x75: {  	_ =	shalt  }
0x76: {  	_ =	shalt  }
0x77: {  	_ =	shalt  }
0x78: {  	_ =	shalt  }
0x79: {  	_ =	shalt  }
0x7a: {  	_ =	shalt  }
0x7b: {  	_ =	shalt  }
0x7c: {  	_ =	shalt  }
0x7d: {  	_ =	shalt  }
0x7e: {  	_ =	shalt  }
0x7f: {  	_ =	shalt  }
0x80: {  	_ =	shalt  }
0x81: {  	_ =	shalt  }
0x82: {  	_ =	shalt  }
0x83: {  	_ =	shalt  }
0x84: {  	_ =	shalt  }
0x85: {  	_ =	shalt  }
0x86: {  	_ =	shalt  }
0x87: {  	_ =	shalt  }
.Lfunc_end0:
.L_simem_size_0:
called_computation.1_lowered:
.L_overlay_start_0:
0x88: {  	s2 =	sld [smem:$0x3FD9]  }
0x89: {  	s3 =	sld [smem:$0x3FFE];
	_ =	sdelay $0x1  }
0x8a: {  	s1 =	srdreg.scid  }
0x8b: {  	s0 =	sand.u32 $0x1, s1  }
0x8c: {  	s17 =	sshll.u32 s0, $0xA;
	s2 =	sadd.s32 s3, s2  }
0x8d: {  	s2 =	sadd.s32 s2, s17  }
0x8e: {  	[smem:$0x3FC5] =	sst s2  }
0x8f: {  	_ = 	snop  }
0x90: {  	s2 =	sld [smem:$0x3FD0];
	(tm) =	ssettm $0x1  }
0x91: {  	s18 =	sld [smem:$0x3FFB];
	_ =	sdelay $0x3  }
0x92: {  	_ =	strace s18  }
0x93: {  	s3 =	sld [smem:$0x3FFC];
	_ =	sdelay $0x3  }
0x94: {  	_ =	strace s3  }
0x95: {  	s3 =	sld [smem:$0x3FFD];
	_ =	sdelay $0x3  }
0x96: {  	_ =	strace s3  }
0x97: {  	_ =	strace $0x8FFFFFFF  }
0x98: {  	s19 =	sld [smem:$0x3FDB];
	_ =	sdelay $0x1  }
0x99: {  	s4 =	simm.s32 $_scs_section_size  }
0x9a: {  	s5 =	simm.s32 $_size__tile_overlayer_lowered;
	s6 =	simm.s32 $_tile_overlayer_lowered  }
0x9b: {  	s22 =	simm.s32 $0x1BFF;
	s21 =	sshll.u32 s6, $0x1;
	s3 =	sadd.s32 s4, s19  }
0x9c: {  	s7 =	simm.s32 $0x0;
	s20 =	sshll.u32 s5, $0x1;
	s5 =	sadd.s32 s21, s3  }
0x9d: {  	[timem:s7], [sflag:s22] =	dma.local [hbm:s5], s20  }
0x9e: {  	_ =	swait.ge [sflag:s22], s20  }
0x9f: {  	s4 =	ssub.s32 $0x0, s20;
	[sflag:s22] =	ssyncset.done $0x0  }
0xa0: {  	[sflag:s22] =	ssyncadd.s32 s4;
	_ =	sdelay $0x1  }
0xa1: {  	s23 =	simm.s32 $0x1B8B  }
0xa2: {  	_ =	swait.ge [sflag:s23], $0x1  }
0xa3: {  	[sflag:s23] =	ssyncset.done $0x0  }
0xa4: {  	s25 =	simm.s32 $0x1B8E;
	s24 =	sld [smem:$0x3FFE];
	[sflag:s23] =	ssyncadd.s32 $0xFFFFFFFF  }
0xa5: {  	s26 =	simm.s32 $execute0_lowered;
	[smem:$0x3FD2] =	sst s25  }
0xa6: {  	s5 =	sshll.u32 s26, $0x1;
	_ =	strace $0x80000046;
	[dreg:$0x1] =	wrdreg $0xFFFFFFFF  }
0xa7: {  	s28 =	simm.s32 $_size_execute0_lowered;
	s3 =	sadd.s32 s3, s5;
	[dreg:$0x0] =	wrdreg $0x0  }
0xa8: {  	s5 =	sshll.u32 s28, $0x1;
	[dreg:$0x2] =	wrdreg s3  }
0xa9: {  	[dreg:$0x3] =	wrdreg s5  }
0xaa: {  	[dreg:$0x4] =	wrdreg $0xC0  }
0xab: {  	_ =	task [dreg:s7], $0x5FFFF  }
0xac: {  	[dreg:$0x1] =	wrdreg $0xFFFFFFFF  }
0xad: {  	[dreg:$0x0] =	wrdreg $0x60  }
0xae: {  	[dreg:$0x2] =	wrdreg s24  }
0xaf: {  	[dreg:$0x3] =	wrdreg s2  }
0xb0: {  	[dreg:$0x4] =	wrdreg $0x9  }
0xb1: {  	_ =	task.clear_ibuf [dreg:s7], $0x5FFFF;
	_ =	strace $0x90000046  }
0xb2: {  	s29 =	simm.s32 $0x9;
	_ =	strace $0x80000048  }
0xb3: {  	_ =	swait.ge [sflag:s29], $0x1  }
0xb4: {  	[sflag:s29] =	ssyncadd.s32 $0xFFFFFFFF  }
0xb5: {  	_ =	strace $0x90000048  }
0xb6: {  	_ =	sfence  }
0xb7: {  	s30 =	sld [smem:$0x0];
	_ =	sdelay $0x2  }
0xb8: {  	s31 =	sshll.u32 s1, $0xD;
	s1 =	sshrl.u32 s1, $0x2  }
0xb9: {  	s3 =	sand.u32 $0x4000, s31;
	s1 =	sadd.s32 s1, s30  }
0xba: {  	s0 =	sor.u32 s3, s0;
	s1 =	sshll.u32 s1, $0x11  }
0xbb: {  	s0 =	sor.u32 s1, s0  }
0xbc: {  	s0 =	sadd.s32 $0x8F2B, s0  }
0xbd: {  	[sflag:s0] =	ssyncadd.remote.s32 $0x1  }
0xbe: {  	_ =	sfence.sel $0xFFFF  }
0xbf: {  	[dreg:$0x0] =	wrdreg $0xFFFFFFFF;
	(pc) =	sbr.abs _section_cstart, $3  }
0xc0: {  	[dreg:$0x1] =	wrdreg $0xFFFFFFFF  }
0xc1: {  	_ =	task.clear_ibuf [dreg:s7], $0x2FFFF;
	_ =	strace $0x9FFFFFFF  }
0xc2: {  	(tm) =	ssettm $0x7FFFFFFF  }
0xc3: {  	_ =	shalt  }
tec
execute0_lowered:
.L_overlay_start_1:
0x0: {  	(tag) =	ssettag $0x1  }
0x1: {  	s0 =	rddreg [dreg:$0x0];
	s1 =	srdreg.scid  }
0x2: {  	s11 =	stileid.u32;
	s5 =	rddreg [dreg:$0x1]  }
0x3: {  	s2 =	simm.s32 $0x0;
	s13 =	simm.s32 $0x8100;
	s28 =	simm.s32 $0xFE00  }
0x4: {  	s29 =	simm.s32 $0x11700;
	s30 =	simm.s32 $0x17B00;
	s8 =	smul.u32 $0xC800, s11  }
0x5: {  	s31 =	simm.s32 $0x1AD00;
	s1 =	sand.u32 $0x1, s1;
	s21 =	smul.u32 $0x64000, s11  }
0x6: {  	s14 =	simm.s32 $0x1C600;
	s3 =	sshll.u32 s11, $0x1;
	s10 =	smul.u32 $0x6400, s1  }
0x7: {  	s4 =	sor.u32 s1, s3;
	s16 =	ssub.s32 $0x2, s1;
	s1 =	smul.u32 $0x32000, s1  }
0x8: {  	s15 =	simm.s32 $0x7;
	[smem:$0x7FF] =	sst s2;
	s3 =	smul.u32 $0xD00, s4  }
0x9: {  	s11 =	simm.s32 $0x8;
	_ =	strace $0x80000047;
	s7 =	smul.u32 $0x190000, s4  }
0xa: {  	s4 =	sadd.s32 $0x1AE00, s0;
	s9 =	sshrl.u32 s16, $0x1;
	s24 =	sadd.s32 s21, s5  }
0xb: {  	s19 =	sadd.s32 s10, s8;
	s8 =	simm.s32 $0x4;
	s10 =	simm.s32 $0x6  }
0xc: {  	s6 =	sadd.s32 s3, s0;
	s3 =	sadd.s32 $0xA00, s0;
	s7 =	sshrl.u32 s7, $0x3  }
0xd: {  	s0 =	ssub.s32 s16, s9;
	s16 =	simm.s32 $0x64;
	s6 =	sadd.s32 $0xE00, s6  }
0xe: {  	s17 =	sadd.s32 s5, s7;
	s0 =	smax.u32 s0, $0x1;
	[dreg:$0x3] =	wrdreg s6  }
0xf: {  	s9 =	simm.s32 $0x5;
	s7 =	sadd.s32 $0x2EE00, s17;
	[dreg:$0x8] =	wrdreg s0  }
0x10: {  	s18 =	sadd.s32 $0x2FA80, s17;
	s20 =	sadd.s32 $0x30700, s17;
	[dreg:$0x4] =	wrdreg s7  }
0x11: {  	s6 =	sadd.s32 $0x31380, s17;
	s0 =	sadd.s32 s1, s24;
	[dreg:$0x5] =	wrdreg s18  }
0x12: {  	s17 =	simm.s32 $0x6800;
	s1 =	simm.s32 $0x9A00;
	[dreg:$0x6] =	wrdreg s20  }
0x13: {  	s24 =	simm.s32 $0x14900;
	s7 =	sshll.u32 s19, $0x3;
	[dreg:$0x7] =	wrdreg s6  }
0x14: {  	[dreg:$0xc] =	wrdreg s0;
	s18 =	simm.s32 $0x13000;
	s0 =	simm.s32 $0x16200  }
0x15: {  	s20 =	simm.s32 $0x19400;
	s6 =	simm.s32 $0x2;
	s22 =	sadd.s32 s7, s5  }
0x16: {  	s19 =	simm.s32 $0x0;
	s5 =	simm.s32 $0x1;
	s23 =	sadd.s32 $0x2580, s22  }
0x17: {  	s7 =	simm.s32 $0x3;
	s25 =	sadd.s32 $0x1900, s22;
	[dreg:$0x9] =	wrdreg s23  }
0x18: {  	s26 =	sadd.s32 $0xC80, s22;
	s22 =	simm.s32 $0xB300;
	[dreg:$0xa] =	wrdreg s25  }
0x19: {  	[dreg:$0xb] =	wrdreg s26;
	s25 =	simm.s32 $0xCC00;
	s26 =	simm.s32 $0xE500  }
.LBB2_1:
0x1a: {  	[dreg:$0xd] =	wrdreg s19  }
0x1b: {  	s12 =	rddreg [dreg:$0x3];
	s21 =	simm.s32 $0x9  }
0x1c: {  	[tilespmem:s2], [sflag:$0x9] =	stream.linear.gather [hbm4b:s12+s2], $0x6800, $0x38;
	[tilespmem:$0x1F800] =	vst v63  }
0x1d: {  	_ =	swait.ge [sflag:s21], $0x6800  }
0x1e: {  	[sflag:s21] =	ssyncset.done $0x0  }
0x1f: {  	[sflag:s21] =	ssyncadd.s32 $0xFFFF9800  }
0x20: {  	[tilespmem:s17], [sflag:$0x1] =	stream.indirect.gather [hbm4b:s3+s16], $0x40, s2, s16, $0xb8;
	[tilespmem:$0x1F800] =	vst v63  }
0x21: {  	s23 =	simm.s32 $0x68  }
0x22: {  	[tilespmem:s13], [sflag:$0x1] =	stream.indirect.gather [hbm4b:s4+s16], $0x40, s23, s16, $0xb8;
	[tilespmem:$0x1F800] =	vst v63  }
0x23: {  	s19 =	simm.s32 $0xD0  }
0x24: {  	[tilespmem:s1], [sflag:$0x1] =	stream.indirect.gather [hbm4b:s3+s16], $0x40, s19, s16, $0xb8;
	[tilespmem:$0x1F800] =	vst v63  }
0x25: {  	s21 =	simm.s32 $0x138  }
0x26: {  	[tilespmem:s22], [sflag:$0x1] =	stream.indirect.gather [hbm4b:s4+s16], $0x40, s21, s16, $0xb8;
	[tilespmem:$0x1F800] =	vst v63  }
0x27: {  	s23 =	simm.s32 $0x1A0  }
0x28: {  	[tilespmem:s25], [sflag:$0x2] =	stream.indirect.gather [hbm4b:s3+s16], $0x40, s23, s16, $0xb8;
	[tilespmem:$0x1F800] =	vst v63  }
0x29: {  	s19 =	simm.s32 $0x208  }
0x2a: {  	[tilespmem:s26], [sflag:$0x2] =	stream.indirect.gather [hbm4b:s4+s16], $0x40, s19, s16, $0xb8;
	[tilespmem:$0x1F800] =	vst v63  }
0x2b: {  	s21 =	simm.s32 $0x270  }
0x2c: {  	[tilespmem:s28], [sflag:$0x2] =	stream.indirect.gather [hbm4b:s3+s16], $0x40, s21, s16, $0xb8;
	[tilespmem:$0x1F800] =	vst v63  }
0x2d: {  	s23 =	simm.s32 $0x2D8  }
0x2e: {  	[tilespmem:s29], [sflag:$0x2] =	stream.indirect.gather [hbm4b:s4+s16], $0x40, s23, s16, $0xb8;
	[tilespmem:$0x1F800] =	vst v63  }
0x2f: {  	s19 =	simm.s32 $0x340  }
0x30: {  	[tilespmem:s18], [sflag:$0x3] =	stream.indirect.gather [hbm4b:s3+s16], $0x40, s19, s16, $0xb8;
	[tilespmem:$0x1F800] =	vst v63  }
0x31: {  	s21 =	simm.s32 $0x3A8  }
0x32: {  	[tilespmem:s24], [sflag:$0x3] =	stream.indirect.gather [hbm4b:s4+s16], $0x40, s21, s16, $0xb8;
	[tilespmem:$0x1F800] =	vst v63  }
0x33: {  	s23 =	simm.s32 $0x410  }
0x34: {  	[tilespmem:s0], [sflag:$0x3] =	stream.indirect.gather [hbm4b:s3+s16], $0x40, s23, s16, $0xb8;
	[tilespmem:$0x1F800] =	vst v63  }
0x35: {  	s19 =	simm.s32 $0x478  }
0x36: {  	[tilespmem:s30], [sflag:$0x3] =	stream.indirect.gather [hbm4b:s4+s16], $0x40, s19, s16, $0xb8;
	[tilespmem:$0x1F800] =	vst v63  }
0x37: {  	s21 =	simm.s32 $0x4E0  }
0x38: {  	[tilespmem:s20], [sflag:$0x4] =	stream.indirect.gather [hbm4b:s3+s16], $0x40, s21, s16, $0xb8;
	[tilespmem:$0x1F800] =	vst v63  }
0x39: {  	s23 =	simm.s32 $0x548  }
0x3a: {  	[tilespmem:s31], [sflag:$0x4] =	stream.indirect.gather [hbm4b:s4+s16], $0x40, s23, s16, $0xb8;
	[tilespmem:$0x1F800] =	vst v63  }
0x3b: {  	s19 =	simm.s32 $0x5B0  }
0x3c: {  	[tilespmem:s14], [sflag:$0x4] =	stream.indirect.gather [hbm4b:s3+s16], $0x40, s19, s16, $0xb8;
	[tilespmem:$0x1F800] =	vst v63  }
0x3d: {  	s21 =	simm.s32 $0x1DF00;
	s23 =	simm.s32 $0x618  }
0x3e: {  	[tilespmem:s21], [sflag:$0x4] =	stream.indirect.gather [hbm4b:s4+s16], $0x40, s23, s16, $0xb8;
	[tilespmem:$0x1F800] =	vst v63  }
0x3f: {  	_ =	swait.ge [sflag:s5], $0x1900  }
0x40: {  	[sflag:s5] =	ssyncset.done $0x0  }
0x41: {  	[sflag:s5] =	ssyncadd.s32 $0xFFFFE700  }
0x42: {  	_ =	swait.ge [sflag:s5], $0x1900  }
0x43: {  	[sflag:s5] =	ssyncset.done $0x0  }
0x44: {  	[sflag:s5] =	ssyncadd.s32 $0xFFFFE700  }
0x45: {  	_ =	swait.ge [sflag:s5], $0x1900  }
0x46: {  	[sflag:s5] =	ssyncset.done $0x0  }
0x47: {  	[sflag:s5] =	ssyncadd.s32 $0xFFFFE700  }
0x48: {  	_ =	swait.ge [sflag:s5], $0x1900  }
0x49: {  	[sflag:s5] =	ssyncset.done $0x0  }
0x4a: {  	s23 =	rddreg [dreg:$0xc];
	[sflag:s5] =	ssyncadd.s32 $0xFFFFE700  }
0x4b: {  	[hbm4b:s23+s2] =	stream.linear.scatter [tilespmem:s17], [sflag:$0x5], $0x6400, $0x38;
	[tilespmem:$0x1F800] =	vst v63  }
0x4c: {  	_ =	swait.ge [sflag:s6], $0x1900  }
0x4d: {  	[sflag:s6] =	ssyncset.done $0x0  }
0x4e: {  	[sflag:s6] =	ssyncadd.s32 $0xFFFFE700  }
0x4f: {  	_ =	swait.ge [sflag:s6], $0x1900  }
0x50: {  	[sflag:s6] =	ssyncset.done $0x0  }
0x51: {  	[sflag:s6] =	ssyncadd.s32 $0xFFFFE700  }
0x52: {  	_ =	swait.ge [sflag:s6], $0x1900  }
0x53: {  	[sflag:s6] =	ssyncset.done $0x0  }
0x54: {  	[sflag:s6] =	ssyncadd.s32 $0xFFFFE700  }
0x55: {  	_ =	swait.ge [sflag:s6], $0x1900  }
0x56: {  	[sflag:s6] =	ssyncset.done $0x0  }
0x57: {  	s14 =	rddreg [dreg:$0xb];
	[sflag:s6] =	ssyncadd.s32 $0xFFFFE700  }
0x58: {  	[hbm4b:s14+s2] =	stream.linear.scatter [tilespmem:s25], [sflag:$0x6], $0x6400, $0x38;
	[tilespmem:$0x1F800] =	vst v63  }
0x59: {  	_ =	swait.ge [sflag:s7], $0x1900  }
0x5a: {  	[sflag:s7] =	ssyncset.done $0x0  }
0x5b: {  	[sflag:s7] =	ssyncadd.s32 $0xFFFFE700  }
0x5c: {  	_ =	swait.ge [sflag:s7], $0x1900  }
0x5d: {  	[sflag:s7] =	ssyncset.done $0x0  }
0x5e: {  	[sflag:s7] =	ssyncadd.s32 $0xFFFFE700  }
0x5f: {  	_ =	swait.ge [sflag:s7], $0x1900  }
0x60: {  	[sflag:s7] =	ssyncset.done $0x0  }
0x61: {  	[sflag:s7] =	ssyncadd.s32 $0xFFFFE700  }
0x62: {  	_ =	swait.ge [sflag:s7], $0x1900  }
0x63: {  	[sflag:s7] =	ssyncset.done $0x0  }
0x64: {  	s21 =	rddreg [dreg:$0xa];
	[sflag:s7] =	ssyncadd.s32 $0xFFFFE700  }
0x65: {  	[hbm4b:s21+s2] =	stream.linear.scatter [tilespmem:s18], [sflag:$0x7], $0x6400, $0x38;
	[tilespmem:$0x1F800] =	vst v63  }
0x66: {  	_ =	swait.ge [sflag:s8], $0x1900  }
0x67: {  	[sflag:s8] =	ssyncset.done $0x0  }
0x68: {  	[sflag:s8] =	ssyncadd.s32 $0xFFFFE700  }
0x69: {  	_ =	swait.ge [sflag:s8], $0x1900  }
0x6a: {  	[sflag:s8] =	ssyncset.done $0x0  }
0x6b: {  	[sflag:s8] =	ssyncadd.s32 $0xFFFFE700  }
0x6c: {  	_ =	swait.ge [sflag:s8], $0x1900  }
0x6d: {  	[sflag:s8] =	ssyncset.done $0x0  }
0x6e: {  	[sflag:s8] =	ssyncadd.s32 $0xFFFFE700  }
0x6f: {  	_ =	swait.ge [sflag:s8], $0x1900  }
0x70: {  	[sflag:s8] =	ssyncset.done $0x0  }
0x71: {  	s19 =	rddreg [dreg:$0x9];
	[sflag:s8] =	ssyncadd.s32 $0xFFFFE700  }
0x72: {  	[hbm4b:s19+s2] =	stream.linear.scatter [tilespmem:s20], [sflag:$0x8], $0x6400, $0x38;
	[tilespmem:$0x1F800] =	vst v63  }
0x73: {  	_ =	swait.ge [sflag:s9], $0x6400  }
0x74: {  	[sflag:s9] =	ssyncset.done $0x0  }
0x75: {  	s12 =	simm.s32 $0x680;
	[sflag:s9] =	ssyncadd.s32 $0xFFFF9C00  }
0x76: {  	[tilespmem:s17], [sflag:$0x1] =	stream.indirect.gather [hbm4b:s3+s16], $0x40, s12, s16, $0xb8;
	[tilespmem:$0x1F800] =	vst v63  }
0x77: {  	s12 =	simm.s32 $0x6E8  }
0x78: {  	[tilespmem:s13], [sflag:$0x1] =	stream.indirect.gather [hbm4b:s4+s16], $0x40, s12, s16, $0xb8;
	[tilespmem:$0x1F800] =	vst v63  }
0x79: {  	s13 =	simm.s32 $0x750  }
0x7a: {  	[tilespmem:s1], [sflag:$0x1] =	stream.indirect.gather [hbm4b:s3+s16], $0x40, s13, s16, $0xb8;
	[tilespmem:$0x1F800] =	vst v63  }
0x7b: {  	s13 =	simm.s32 $0x7B8  }
0x7c: {  	[tilespmem:s22], [sflag:$0x1] =	stream.indirect.gather [hbm4b:s4+s16], $0x40, s13, s16, $0xb8;
	[tilespmem:$0x1F800] =	vst v63  }
0x7d: {  	_ =	swait.ge [sflag:s10], $0x6400  }
0x7e: {  	[sflag:s10] =	ssyncset.done $0x0  }
0x7f: {  	s22 =	simm.s32 $0x820;
	[sflag:s10] =	ssyncadd.s32 $0xFFFF9C00  }
0x80: {  	[tilespmem:s25], [sflag:$0x2] =	stream.indirect.gather [hbm4b:s3+s16], $0x40, s22, s16, $0xb8;
	[tilespmem:$0x1F800] =	vst v63  }
0x81: {  	s1 =	simm.s32 $0x888  }
0x82: {  	[tilespmem:s26], [sflag:$0x2] =	stream.indirect.gather [hbm4b:s4+s16], $0x40, s1, s16, $0xb8;
	[tilespmem:$0x1F800] =	vst v63  }
0x83: {  	s13 =	simm.s32 $0x8F0  }
0x84: {  	[tilespmem:s28], [sflag:$0x2] =	stream.indirect.gather [hbm4b:s3+s16], $0x40, s13, s16, $0xb8;
	[tilespmem:$0x1F800] =	vst v63  }
0x85: {  	s22 =	simm.s32 $0x958  }
0x86: {  	[tilespmem:s29], [sflag:$0x2] =	stream.indirect.gather [hbm4b:s4+s16], $0x40, s22, s16, $0xb8;
	[tilespmem:$0x1F800] =	vst v63  }
0x87: {  	_ =	swait.ge [sflag:s15], $0x6400  }
0x88: {  	[sflag:s15] =	ssyncset.done $0x0  }
0x89: {  	s26 =	simm.s32 $0x9C0;
	[sflag:s15] =	ssyncadd.s32 $0xFFFF9C00  }
0x8a: {  	[tilespmem:s18], [sflag:$0x3] =	stream.indirect.gather [hbm4b:s3+s16], $0x40, s26, s16, $0xb8;
	[tilespmem:$0x1F800] =	vst v63  }
0x8b: {  	s28 =	simm.s32 $0xA28  }
0x8c: {  	[tilespmem:s24], [sflag:$0x3] =	stream.indirect.gather [hbm4b:s4+s16], $0x40, s28, s16, $0xb8;
	[tilespmem:$0x1F800] =	vst v63  }
0x8d: {  	s1 =	simm.s32 $0xA90  }
0x8e: {  	[tilespmem:s0], [sflag:$0x3] =	stream.indirect.gather [hbm4b:s3+s16], $0x40, s1, s16, $0xb8;
	[tilespmem:$0x1F800] =	vst v63  }
0x8f: {  	s14 =	sadd.s32 $0x3200, s14;
	s21 =	sadd.s32 $0x3200, s21;
	s13 =	simm.s32 $0xAF8  }
0x90: {  	[tilespmem:s30], [sflag:$0x3] =	stream.indirect.gather [hbm4b:s4+s16], $0x40, s13, s16, $0xb8;
	[tilespmem:$0x1F800] =	vst v63  }
0x91: {  	s19 =	sadd.s32 $0x3200, s19;
	s12 =	sadd.s32 $0x3200, s23;
	_ =	swait.ge [sflag:s11], $0x6400  }
0x92: {  	s23 =	simm.s32 $0xC98;
	s22 =	simm.s32 $0xB60;
	[sflag:s11] =	ssyncset.done $0x0  }
0x93: {  	s29 =	simm.s32 $0x17B00;
	s26 =	simm.s32 $0xC30;
	[sflag:s11] =	ssyncadd.s32 $0xFFFF9C00  }
0x94: {  	[tilespmem:s20], [sflag:$0x4] =	stream.indirect.gather [hbm4b:s3+s16], $0x40, s22, s16, $0xb8;
	[tilespmem:$0x1F800] =	vst v63  }
0x95: {  	s24 =	simm.s32 $0xBC8;
	s28 =	simm.s32 $0x1C600;
	s0 =	simm.s32 $0x16200  }
0x96: {  	[tilespmem:s31], [sflag:$0x4] =	stream.indirect.gather [hbm4b:s4+s16], $0x40, s24, s16, $0xb8;
	[tilespmem:$0x1F800] =	vst v63  }
0x97: {  	s1 =	simm.s32 $0x9A00;
	s13 =	simm.s32 $0x1A00;
	s30 =	simm.s32 $0x1AD00  }
0x98: {  	[tilespmem:s28], [sflag:$0x4] =	stream.indirect.gather [hbm4b:s3+s16], $0x40, s26, s16, $0xb8;
	[tilespmem:$0x1F800] =	vst v63  }
0x99: {  	s22 =	simm.s32 $0xB300;
	s31 =	simm.s32 $0xFE00;
	s26 =	simm.s32 $0xE500  }
.LBB2_2:
0x9a: {  	s28 =	simm.s32 $0x1DF00  }
0x9b: {  	[tilespmem:s28], [sflag:$0x4] =	stream.indirect.gather [hbm4b:s4+s16], $0x40, s23, s16, $0xb8;
	[tilespmem:$0x1F800] =	vst v63  }
0x9c: {  	s23 =	smov.u32 s13  }
0x9d: {  	p0 =	sne.s32 s13, $0x16C00;
	s13 =	sadd.s32 $0x1A00, s13;
	_ =	swait.ge [sflag:s5], $0x1900  }
0x9e: {  	[sflag:s5] =	ssyncset.done $0x0  }
0x9f: {  	[sflag:s5] =	ssyncadd.s32 $0xFFFFE700  }
0xa0: {  	_ =	swait.ge [sflag:s5], $0x1900  }
0xa1: {  	[sflag:s5] =	ssyncset.done $0x0  }
0xa2: {  	[sflag:s5] =	ssyncadd.s32 $0xFFFFE700  }
0xa3: {  	_ =	swait.ge [sflag:s5], $0x1900  }
0xa4: {  	[sflag:s5] =	ssyncset.done $0x0  }
0xa5: {  	[sflag:s5] =	ssyncadd.s32 $0xFFFFE700  }
0xa6: {  	_ =	swait.ge [sflag:s5], $0x1900  }
0xa7: {  	[sflag:s5] =	ssyncset.done $0x0  }
0xa8: {  	[sflag:s5] =	ssyncadd.s32 $0xFFFFE700  }
0xa9: {  	[hbm4b:s12+s2] =	stream.linear.scatter [tilespmem:s17], [sflag:$0x5], $0x6400, $0x38;
	[tilespmem:$0x1F800] =	vst v63  }
0xaa: {  	_ =	swait.ge [sflag:s6], $0x1900  }
0xab: {  	[sflag:s6] =	ssyncset.done $0x0  }
0xac: {  	[sflag:s6] =	ssyncadd.s32 $0xFFFFE700  }
0xad: {  	_ =	swait.ge [sflag:s6], $0x1900  }
0xae: {  	[sflag:s6] =	ssyncset.done $0x0  }
0xaf: {  	[sflag:s6] =	ssyncadd.s32 $0xFFFFE700  }
0xb0: {  	_ =	swait.ge [sflag:s6], $0x1900  }
0xb1: {  	[sflag:s6] =	ssyncset.done $0x0  }
0xb2: {  	[sflag:s6] =	ssyncadd.s32 $0xFFFFE700  }
0xb3: {  	_ =	swait.ge [sflag:s6], $0x1900  }
0xb4: {  	[sflag:s6] =	ssyncset.done $0x0  }
0xb5: {  	[sflag:s6] =	ssyncadd.s32 $0xFFFFE700  }
0xb6: {  	[hbm4b:s14+s2] =	stream.linear.scatter [tilespmem:s25], [sflag:$0x6], $0x6400, $0x38;
	[tilespmem:$0x1F800] =	vst v63  }
0xb7: {  	_ =	swait.ge [sflag:s7], $0x1900  }
0xb8: {  	[sflag:s7] =	ssyncset.done $0x0  }
0xb9: {  	[sflag:s7] =	ssyncadd.s32 $0xFFFFE700  }
0xba: {  	_ =	swait.ge [sflag:s7], $0x1900  }
0xbb: {  	[sflag:s7] =	ssyncset.done $0x0  }
0xbc: {  	[sflag:s7] =	ssyncadd.s32 $0xFFFFE700  }
0xbd: {  	_ =	swait.ge [sflag:s7], $0x1900  }
0xbe: {  	[sflag:s7] =	ssyncset.done $0x0  }
0xbf: {  	[sflag:s7] =	ssyncadd.s32 $0xFFFFE700  }
0xc0: {  	_ =	swait.ge [sflag:s7], $0x1900  }
0xc1: {  	[sflag:s7] =	ssyncset.done $0x0  }
0xc2: {  	[sflag:s7] =	ssyncadd.s32 $0xFFFFE700  }
0xc3: {  	[hbm4b:s21+s2] =	stream.linear.scatter [tilespmem:s18], [sflag:$0x7], $0x6400, $0x38;
	[tilespmem:$0x1F800] =	vst v63  }
0xc4: {  	_ =	swait.ge [sflag:s8], $0x1900  }
0xc5: {  	[sflag:s8] =	ssyncset.done $0x0  }
0xc6: {  	[sflag:s8] =	ssyncadd.s32 $0xFFFFE700  }
0xc7: {  	_ =	swait.ge [sflag:s8], $0x1900  }
0xc8: {  	[sflag:s8] =	ssyncset.done $0x0  }
0xc9: {  	[sflag:s8] =	ssyncadd.s32 $0xFFFFE700  }
0xca: {  	_ =	swait.ge [sflag:s8], $0x1900  }
0xcb: {  	[sflag:s8] =	ssyncset.done $0x0  }
0xcc: {  	[sflag:s8] =	ssyncadd.s32 $0xFFFFE700  }
0xcd: {  	_ =	swait.ge [sflag:s8], $0x1900  }
0xce: {  	[sflag:s8] =	ssyncset.done $0x0  }
0xcf: {  	[sflag:s8] =	ssyncadd.s32 $0xFFFFE700  }
0xd0: {  	[hbm4b:s19+s2] =	stream.linear.scatter [tilespmem:s20], [sflag:$0x8], $0x6400, $0x38;
	[tilespmem:$0x1F800] =	vst v63  }
0xd1: {  	_ =	swait.ge [sflag:s9], $0x6400  }
0xd2: {  	s23 =	sshra.s32 s23, $0x2;
	[sflag:s9] =	ssyncset.done $0x0  }
0xd3: {  	s28 =	sadd.s32 $0x680, s23;
	[sflag:s9] =	ssyncadd.s32 $0xFFFF9C00  }
0xd4: {  	[tilespmem:s17], [sflag:$0x1] =	stream.indirect.gather [hbm4b:s3+s16], $0x40, s28, s16, $0xb8;
	[tilespmem:$0x1F800] =	vst v63  }
0xd5: {  	s24 =	simm.s32 $0x8100;
	s28 =	sadd.s32 $0x6E8, s23  }
0xd6: {  	[tilespmem:s24], [sflag:$0x1] =	stream.indirect.gather [hbm4b:s4+s16], $0x40, s28, s16, $0xb8;
	[tilespmem:$0x1F800] =	vst v63  }
0xd7: {  	s28 =	sadd.s32 $0x750, s23  }
0xd8: {  	[tilespmem:s1], [sflag:$0x1] =	stream.indirect.gather [hbm4b:s3+s16], $0x40, s28, s16, $0xb8;
	[tilespmem:$0x1F800] =	vst v63  }
0xd9: {  	s28 =	sadd.s32 $0x7B8, s23  }
0xda: {  	[tilespmem:s22], [sflag:$0x1] =	stream.indirect.gather [hbm4b:s4+s16], $0x40, s28, s16, $0xb8;
	[tilespmem:$0x1F800] =	vst v63  }
0xdb: {  	_ =	swait.ge [sflag:s10], $0x6400  }
0xdc: {  	[sflag:s10] =	ssyncset.done $0x0  }
0xdd: {  	s28 =	sadd.s32 $0x820, s23;
	[sflag:s10] =	ssyncadd.s32 $0xFFFF9C00  }
0xde: {  	[tilespmem:s25], [sflag:$0x2] =	stream.indirect.gather [hbm4b:s3+s16], $0x40, s28, s16, $0xb8;
	[tilespmem:$0x1F800] =	vst v63  }
0xdf: {  	s28 =	sadd.s32 $0x888, s23  }
0xe0: {  	[tilespmem:s26], [sflag:$0x2] =	stream.indirect.gather [hbm4b:s4+s16], $0x40, s28, s16, $0xb8;
	[tilespmem:$0x1F800] =	vst v63  }
0xe1: {  	s28 =	sadd.s32 $0x8F0, s23  }
0xe2: {  	[tilespmem:s31], [sflag:$0x2] =	stream.indirect.gather [hbm4b:s3+s16], $0x40, s28, s16, $0xb8;
	[tilespmem:$0x1F800] =	vst v63  }
0xe3: {  	s24 =	simm.s32 $0x11700;
	s28 =	sadd.s32 $0x958, s23  }
0xe4: {  	[tilespmem:s24], [sflag:$0x2] =	stream.indirect.gather [hbm4b:s4+s16], $0x40, s28, s16, $0xb8;
	[tilespmem:$0x1F800] =	vst v63  }
0xe5: {  	_ =	swait.ge [sflag:s15], $0x6400  }
0xe6: {  	[sflag:s15] =	ssyncset.done $0x0  }
0xe7: {  	s28 =	sadd.s32 $0x9C0, s23;
	[sflag:s15] =	ssyncadd.s32 $0xFFFF9C00  }
0xe8: {  	[tilespmem:s18], [sflag:$0x3] =	stream.indirect.gather [hbm4b:s3+s16], $0x40, s28, s16, $0xb8;
	[tilespmem:$0x1F800] =	vst v63  }
0xe9: {  	s24 =	simm.s32 $0x14900;
	s28 =	sadd.s32 $0xA28, s23  }
0xea: {  	[tilespmem:s24], [sflag:$0x3] =	stream.indirect.gather [hbm4b:s4+s16], $0x40, s28, s16, $0xb8;
	[tilespmem:$0x1F800] =	vst v63  }
0xeb: {  	s28 =	sadd.s32 $0xA90, s23  }
0xec: {  	[tilespmem:s0], [sflag:$0x3] =	stream.indirect.gather [hbm4b:s3+s16], $0x40, s28, s16, $0xb8;
	[tilespmem:$0x1F800] =	vst v63  }
0xed: {  	s28 =	sadd.s32 $0xAF8, s23  }
0xee: {  	[tilespmem:s29], [sflag:$0x3] =	stream.indirect.gather [hbm4b:s4+s16], $0x40, s28, s16, $0xb8;
	[tilespmem:$0x1F800] =	vst v63  }
0xef: {  	_ =	swait.ge [sflag:s11], $0x6400  }
0xf0: {  	[sflag:s11] =	ssyncset.done $0x0  }
0xf1: {  	s28 =	sadd.s32 $0xB60, s23;
	[sflag:s11] =	ssyncadd.s32 $0xFFFF9C00  }
0xf2: {  	[tilespmem:s20], [sflag:$0x4] =	stream.indirect.gather [hbm4b:s3+s16], $0x40, s28, s16, $0xb8;
	[tilespmem:$0x1F800] =	vst v63  }
.Ltmp0:
0xf3: {  	s12 =	sadd.s32 $0x3200, s12;
	s28 =	sadd.s32 $0xBC8, s23;
	(pc) =	sbr.rel @p0 .LBB2_2-.Ltmp0, $4  }
0xf4: {  	[tilespmem:s30], [sflag:$0x4] =	stream.indirect.gather [hbm4b:s4+s16], $0x40, s28, s16, $0xb8;
	[tilespmem:$0x1F800] =	vst v63  }
0xf5: {  	s14 =	sadd.s32 $0x3200, s14;
	s24 =	simm.s32 $0x1C600;
	s28 =	sadd.s32 $0xC30, s23  }
0xf6: {  	[tilespmem:s24], [sflag:$0x4] =	stream.indirect.gather [hbm4b:s3+s16], $0x40, s28, s16, $0xb8;
	[tilespmem:$0x1F800] =	vst v63  }
0xf7: {  	s21 =	sadd.s32 $0x3200, s21;
	s19 =	sadd.s32 $0x3200, s19;
	s23 =	sadd.s32 $0xC98, s23  }
0xf8: {  	s0 =	simm.s32 $0x1DF00  }
0xf9: {  	[tilespmem:s0], [sflag:$0x4] =	stream.indirect.gather [hbm4b:s4+s16], $0x40, s23, s16, $0xb8;
	[tilespmem:$0x1F800] =	vst v63  }
0xfa: {  	_ =	swait.ge [sflag:s5], $0x1900  }
0xfb: {  	[sflag:s5] =	ssyncset.done $0x0  }
0xfc: {  	[sflag:s5] =	ssyncadd.s32 $0xFFFFE700  }
0xfd: {  	_ =	swait.ge [sflag:s5], $0x1900  }
0xfe: {  	[sflag:s5] =	ssyncset.done $0x0  }
0xff: {  	[sflag:s5] =	ssyncadd.s32 $0xFFFFE700  }
0x100: {  	_ =	swait.ge [sflag:s5], $0x1900  }
0x101: {  	[sflag:s5] =	ssyncset.done $0x0  }
0x102: {  	[sflag:s5] =	ssyncadd.s32 $0xFFFFE700  }
0x103: {  	_ =	swait.ge [sflag:s5], $0x1900  }
0x104: {  	[sflag:s5] =	ssyncset.done $0x0  }
0x105: {  	s12 =	rddreg [dreg:$0x4];
	[sflag:s5] =	ssyncadd.s32 $0xFFFFE700  }
0x106: {  	[hbm4b:s12+s2] =	stream.linear.scatter [tilespmem:s17], [sflag:$0x5], $0x6400, $0x38;
	[tilespmem:$0x1F800] =	vst v63  }
0x107: {  	_ =	swait.ge [sflag:s6], $0x1900  }
0x108: {  	[sflag:s6] =	ssyncset.done $0x0  }
0x109: {  	[sflag:s6] =	ssyncadd.s32 $0xFFFFE700  }
0x10a: {  	_ =	swait.ge [sflag:s6], $0x1900  }
0x10b: {  	[sflag:s6] =	ssyncset.done $0x0  }
0x10c: {  	[sflag:s6] =	ssyncadd.s32 $0xFFFFE700  }
0x10d: {  	_ =	swait.ge [sflag:s6], $0x1900  }
0x10e: {  	[sflag:s6] =	ssyncset.done $0x0  }
0x10f: {  	[sflag:s6] =	ssyncadd.s32 $0xFFFFE700  }
0x110: {  	_ =	swait.ge [sflag:s6], $0x1900  }
0x111: {  	[sflag:s6] =	ssyncset.done $0x0  }
0x112: {  	s22 =	rddreg [dreg:$0x5];
	[sflag:s6] =	ssyncadd.s32 $0xFFFFE700  }
0x113: {  	[hbm4b:s22+s2] =	stream.linear.scatter [tilespmem:s25], [sflag:$0x6], $0x6400, $0x38;
	[tilespmem:$0x1F800] =	vst v63  }
0x114: {  	_ =	swait.ge [sflag:s7], $0x1900  }
0x115: {  	[sflag:s7] =	ssyncset.done $0x0  }
0x116: {  	[sflag:s7] =	ssyncadd.s32 $0xFFFFE700  }
0x117: {  	_ =	swait.ge [sflag:s7], $0x1900  }
0x118: {  	[sflag:s7] =	ssyncset.done $0x0  }
0x119: {  	[sflag:s7] =	ssyncadd.s32 $0xFFFFE700  }
0x11a: {  	_ =	swait.ge [sflag:s7], $0x1900  }
0x11b: {  	[sflag:s7] =	ssyncset.done $0x0  }
0x11c: {  	[sflag:s7] =	ssyncadd.s32 $0xFFFFE700  }
0x11d: {  	_ =	swait.ge [sflag:s7], $0x1900  }
0x11e: {  	[sflag:s7] =	ssyncset.done $0x0  }
0x11f: {  	s23 =	rddreg [dreg:$0x6];
	[sflag:s7] =	ssyncadd.s32 $0xFFFFE700  }
0x120: {  	[hbm4b:s23+s2] =	stream.linear.scatter [tilespmem:s18], [sflag:$0x7], $0x6400, $0x38;
	[tilespmem:$0x1F800] =	vst v63  }
0x121: {  	_ =	swait.ge [sflag:s8], $0x1900  }
0x122: {  	[sflag:s8] =	ssyncset.done $0x0  }
0x123: {  	[sflag:s8] =	ssyncadd.s32 $0xFFFFE700  }
0x124: {  	_ =	swait.ge [sflag:s8], $0x1900  }
0x125: {  	[sflag:s8] =	ssyncset.done $0x0  }
0x126: {  	[sflag:s8] =	ssyncadd.s32 $0xFFFFE700  }
0x127: {  	_ =	swait.ge [sflag:s8], $0x1900  }
0x128: {  	[sflag:s8] =	ssyncset.done $0x0  }
0x129: {  	[sflag:s8] =	ssyncadd.s32 $0xFFFFE700  }
0x12a: {  	_ =	swait.ge [sflag:s8], $0x1900  }
0x12b: {  	[sflag:s8] =	ssyncset.done $0x0  }
0x12c: {  	s24 =	rddreg [dreg:$0x7];
	[sflag:s8] =	ssyncadd.s32 $0xFFFFE700  }
0x12d: {  	[hbm4b:s24+s2] =	stream.linear.scatter [tilespmem:s20], [sflag:$0x8], $0x6400, $0x38;
	[tilespmem:$0x1F800] =	vst v63  }
0x12e: {  	_ =	swait.ge [sflag:s9], $0x6400  }
0x12f: {  	[sflag:s9] =	ssyncset.done $0x0  }
0x130: {  	[sflag:s9] =	ssyncadd.s32 $0xFFFF9C00  }
0x131: {  	_ =	swait.ge [sflag:s10], $0x6400  }
0x132: {  	[sflag:s10] =	ssyncset.done $0x0  }
0x133: {  	[sflag:s10] =	ssyncadd.s32 $0xFFFF9C00  }
0x134: {  	_ =	swait.ge [sflag:s15], $0x6400  }
0x135: {  	[sflag:s15] =	ssyncset.done $0x0  }
0x136: {  	[sflag:s15] =	ssyncadd.s32 $0xFFFF9C00  }
0x137: {  	_ =	swait.ge [sflag:s11], $0x6400  }
0x138: {  	s19 =	rddreg [dreg:$0xd]  }
0x139: {  	s26 =	rddreg [dreg:$0x8];
	s19 =	sadd.s32 $0x1, s19  }
0x13a: {  	p0 =	sne.s32 s19, s26  }
.Ltmp1:
0x13b: {  	s13 =	simm.s32 $0x8100;
	(pc) =	sbr.rel @p0 .LBB2_1-.Ltmp1, $4  }
0x13c: {  	s1 =	simm.s32 $0x9A00;
	s28 =	simm.s32 $0xFE00;
	s29 =	simm.s32 $0x11700  }
0x13d: {  	s30 =	simm.s32 $0x17B00;
	s31 =	simm.s32 $0x1AD00;
	s14 =	simm.s32 $0x1C600  }
0x13e: {  	s0 =	simm.s32 $0x16200;
	s22 =	simm.s32 $0xB300;
	[sflag:s11] =	ssyncset.done $0x0  }
0x13f: {  	s24 =	simm.s32 $0x14900;
	[sflag:s11] =	ssyncadd.s32 $0xFFFF9C00;
	s26 =	simm.s32 $0xE500  }
0x140: {  	_ =	sfence.sel $0x180000  }
0x141: {  	[bflag:$0x0] =	sbarrier.arrive $0xFFFF  }
0x142: {  	_ =	strace $0x90000047  }
0x143: {  	s0 =	stileid.u32;
	[bflag:$0x2] =	sbarrier.arrive $0xFFFF  }
0x144: {  	p0 =	sne.s32 s0, $0x0;
	s0 =	rddreg [dreg:$0x2]  }
0x145: {  	s0 =	sadd.s32 @!p0 $0x100000, s0  }
0x146: {  	[sflag:s0] =	ssyncadd.tile.s32 @!p0 $0x1;
	_ =	shalt  }
.Lfunc_end2:
_tile_overlayer_lowered:
.L_overlay_start_2:
0x147: {  	(tag) =	ssettag $0x2  }
0x148: {  	s0 =	rddreg [dreg:$0x0];
	s2 =	stileid.u32  }
0x149: {  	s1 =	rddreg [dreg:$0x1];
	p0 =	sne.s32 s2, $0x0  }
0x14a: {  	s3 =	rddreg [dreg:$0x2];
	[bflag:$0x3] =	sbarrier.arrive $0xFFFF;
	s2 =	simm.s32 @!p0 $0x1C09  }
0x14b: {  	[timem:s3], [sflag:s2] =	dma.local @!p0 [hbm:s0], s1  }
0x14c: {  	s0 =	simm.s32 @!p0 $0x9  }
0x14d: {  	_ =	swait.ge @!p0 [sflag:s0], s1  }
0x14e: {  	s1 =	ssub.s32 @!p0 $0x0, s1;
	[sflag:s0] =	ssyncset.done @!p0 $0x0  }
0x14f: {  	[sflag:s0] =	ssyncadd.s32 @!p0 s1  }
0x150: {  	[bflag:$0x3] =	sbarrier.arrive $0xFFFF  }
0x151: {  	_ =	shalt  }

// kernel: sparse-core-data-format-call.cloned.1.call-start
scs
called_computation_lowered:
.L_overlay_start_0:
0x0: {  	s2 =	sld [smem:$0x3FD9]  }
0x1: {  	s3 =	sld [smem:$0x3FFE];
	_ =	sdelay $0x1  }
0x2: {  	s1 =	srdreg.scid  }
0x3: {  	s0 =	sand.u32 $0x1, s1  }
0x4: {  	s18 =	sshll.u32 s0, $0xA;
	s2 =	sadd.s32 s3, s2  }
0x5: {  	s2 =	sadd.s32 s2, s18  }
0x6: {  	[smem:$0x3FC5] =	sst s2  }
0x7: {  	_ = 	snop  }
0x8: {  	s2 =	sld [smem:$0x3FD0];
	(tm) =	ssettm $0x1  }
0x9: {  	s19 =	sld [smem:$0x3FFB];
	_ =	sdelay $0x3  }
0xa: {  	_ =	strace s19  }
0xb: {  	s3 =	sld [smem:$0x3FFC];
	_ =	sdelay $0x3  }
0xc: {  	_ =	strace s3  }
0xd: {  	s3 =	sld [smem:$0x3FFD];
	_ =	sdelay $0x3  }
0xe: {  	_ =	strace s3  }
0xf: {  	_ =	strace $0x8FFFFFFF  }
0x10: {  	s20 =	sld [smem:$0x3FDB];
	_ =	sdelay $0x1  }
0x11: {  	s4 =	simm.s32 $_scs_section_size  }
0x12: {  	s5 =	simm.s32 $_size__tile_overlayer_lowered;
	s6 =	simm.s32 $_tile_overlayer_lowered  }
0x13: {  	s23 =	simm.s32 $0x1BFF;
	s22 =	sshll.u32 s6, $0x1;
	s3 =	sadd.s32 s4, s20  }
0x14: {  	s7 =	simm.s32 $0x0;
	s21 =	sshll.u32 s5, $0x1;
	s5 =	sadd.s32 s22, s3  }
0x15: {  	[timem:s7], [sflag:s23] =	dma.local [hbm:s5], s21  }
0x16: {  	_ =	swait.ge [sflag:s23], s21  }
0x17: {  	s4 =	ssub.s32 $0x0, s21;
	[sflag:s23] =	ssyncset.done $0x0  }
0x18: {  	[sflag:s23] =	ssyncadd.s32 s4;
	_ =	sdelay $0x1  }
0x19: {  	s24 =	simm.s32 $0x1B8B  }
0x1a: {  	_ =	swait.ge [sflag:s24], $0x1  }
0x1b: {  	[sflag:s24] =	ssyncset.done $0x0  }
0x1c: {  	s26 =	simm.s32 $0x1B8E;
	s25 =	sld [smem:$0x3FFE];
	[sflag:s24] =	ssyncadd.s32 $0xFFFFFFFF  }
0x1d: {  	s27 =	simm.s32 $execute0_lowered;
	[smem:$0x3FD2] =	sst s26  }
0x1e: {  	s5 =	sshll.u32 s27, $0x1;
	_ =	strace $0x80000049;
	[dreg:$0x1] =	wrdreg $0xFFFFFFFF  }
0x1f: {  	s28 =	simm.s32 $_size_execute0_lowered;
	s3 =	sadd.s32 s3, s5;
	[dreg:$0x0] =	wrdreg $0x0  }
0x20: {  	s5 =	sshll.u32 s28, $0x1;
	[dreg:$0x2] =	wrdreg s3  }
0x21: {  	[dreg:$0x3] =	wrdreg s5  }
0x22: {  	[dreg:$0x4] =	wrdreg $0xC0  }
0x23: {  	_ =	task [dreg:s7], $0x5FFFF  }
0x24: {  	[dreg:$0x1] =	wrdreg $0xFFFFFFFF  }
0x25: {  	[dreg:$0x0] =	wrdreg $0x60  }
0x26: {  	[dreg:$0x2] =	wrdreg s25  }
0x27: {  	[dreg:$0x3] =	wrdreg s2  }
0x28: {  	[dreg:$0x4] =	wrdreg $0x9  }
0x29: {  	_ =	task.clear_ibuf [dreg:s7], $0x5FFFF;
	_ =	strace $0x90000049  }
0x2a: {  	s29 =	simm.s32 $0x9;
	_ =	strace $0x8000004B  }
0x2b: {  	_ =	swait.ge [sflag:s29], $0x1  }
0x2c: {  	[sflag:s29] =	ssyncadd.s32 $0xFFFFFFFF  }
0x2d: {  	_ =	strace $0x9000004B  }
0x2e: {  	_ =	sfence  }
0x2f: {  	s30 =	sld [smem:$0x0];
	_ =	sdelay $0x2  }
0x30: {  	s31 =	sshll.u32 s1, $0xD;
	s1 =	sshrl.u32 s1, $0x2  }
0x31: {  	s3 =	sand.u32 $0x4000, s31;
	s1 =	sadd.s32 s1, s30  }
0x32: {  	s0 =	sor.u32 s3, s0;
	s1 =	sshll.u32 s1, $0x11  }
0x33: {  	s0 =	sor.u32 s1, s0  }
0x34: {  	s0 =	sadd.s32 $0x8F2B, s0  }
0x35: {  	[sflag:s0] =	ssyncadd.remote.s32 $0x1  }
0x36: {  	_ =	sfence.sel $0xFFFF  }
0x37: {  	[dreg:$0x0] =	wrdreg $0xFFFFFFFF;
	(pc) =	sbr.abs _section_cstart, $3  }
0x38: {  	[dreg:$0x1] =	wrdreg $0xFFFFFFFF  }
0x39: {  	_ =	task.clear_ibuf [dreg:s7], $0x2FFFF;
	_ =	strace $0x9FFFFFFF  }
0x3a: {  	(tm) =	ssettm $0x7FFFFFFF  }
0x3b: {  	_ =	shalt  }
tec
execute0_lowered:
.L_overlay_start_1:
0x0: {  	(tag) =	ssettag $0x1  }
0x1: {  	s0 =	srdreg.scid  }
0x2: {  	s1 =	sshll.u32 s0, $0x4  }
0x3: {  	s0 =	stileid.u32;
	s1 =	sand.u32 $0x10, s1  }
0x4: {  	s1 =	sor.u32 s0, s1  }
0x5: {  	s6 =	rddreg [dreg:$0x0];
	s4 =	simm.s32 $0x1;
	s2 =	sshll.u32 s1, $0x7  }
0x6: {  	s7 =	simm.s32 $0x2;
	s12 =	simm.s32 $0x0;
	s1 =	ssub.s32 $0x1000, s2  }
0x7: {  	s8 =	simm.s32 $0x8000;
	s13 =	simm.s32 $0x0;
	s3 =	sand.u32 $0xF80, s1  }
0x8: {  	s9 =	simm.s32 $0x0;
	s5 =	sshrl.u32 s1, $0xC;
	p0 =	sne.s32 s3, $0x0  }
.Ltmp0:
0x9: {  	s1 =	rddreg [dreg:$0x2];
	s4 =	simm.s32 @!p0 $0x0;
	(pc) =	sbr.rel .LBB1_1-.Ltmp0, $4  }
0xa: {  	s11 =	simm.s32 $0x0;
	s3 =	rddreg [dreg:$0x1];
	s5 =	sadd.s32 s4, s5  }
0xb: {  	_ =	strace $0x8000004A;
	s4 =	simm.s32 $0x1;
	s5 =	smul.u32 $0xC8, s5  }
0xc: {  	s6 =	sadd.s32 $0xA00, s6;
	s10 =	smov.u32 s2;
	[sflag:s4] =	ssyncpa.u1 $0x0  }
0xd: {  	p0 =	por $0x0, $0x0;
	[sflag:s7] =	ssyncpa.u1 $0x0;
	s7 =	sor.u32 $0x1, s5  }
.LBB1_4:
0xe: {  	s16 =	sshll.u32 s13, $0x3;
	s17 =	sand.u32 $0x78, s13  }
0xf: {  	s30 =	sand.u32 $0x7E00, s13;
	s12 =	sshll.u32 s12, $0xF;
	s16 =	sand.u32 $0xC00, s16  }
0x10: {  	[tilespmem:s15+$0x810 ss:$0x81] =	vst.msk $0xffff, v2;
	s31 =	sand.u32 $0x7, s13;
	s16 =	sor.u32 s17, s16;
	s17 =	sadd.s32 s3, s30  }
0x11: {  	[tilespmem:s15+$0x1020 ss:$0x81] =	vst.msk $0xffff, v0;
	s13 =	sshll.u32 s31, $0x12;
	s12 =	sadd.s32 s12, s17;
	s16 =	sshrl.u32 s16, $0x3  }
0x12: {  	[tilespmem:s15+$0x0 ss:$0x81] =	vst.msk $0xffff, v1;
	s13 =	sor.u32 $0x400, s13;
	s12 =	sadd.s32 s16, s12  }
0x13: {  	[hbm4b:s12+s13] =	stream.strided.scatter [tilespmem:s14], [sflag:$0x2], $0x2000, s8, s13, $0x20;
	[tilespmem:$0x8080] =	vst v63  }
.LBB1_5:
0x14: {  	s14 =	sadd.s32 $0x1, s9  }
0x15: {  	s12 =	sadd.s32 $0x1000, s10;
	s16 =	smov.u32 s10;
	p2 =	sgt.s32 s14, $0xC7  }
0x16: {  	s16 =	smov.u32 @p2 s12  }
0x17: {  	s14 =	simm.s32 @p2 $0x0;
	p2 =	sgt.s32 s16, $0xFFF  }
0x18: {  	s16 =	smov.u32 @p2 s2;
	p2 =	sne.s32 s11, s7  }
.Ltmp1:
0x19: {  	p1 =	slt.u32 s11, $0x2;
	(pc) =	sbr.rel @!p2 .LBB1_6-.Ltmp1, $4  }
0x1a: {  	s15 =	simm.s32 @!p1 $0x2  }
0x1b: {  	s13 =	smov.u32 s10;
	p0 =	por !p0, !p0;
	_ =	swait.ge @!p1 [sflag:s15], $0x2000  }
0x1c: {  	s12 =	smov.u32 s9;
	[sflag:s15] =	ssyncset.done @!p1 $0x0;
	s9 =	smov.u32 s14  }
0x1d: {  	s11 =	sadd.s32 $0x1, s11;
	[sflag:s15] =	ssyncadd.s32 @!p1 $0xFFFFE000;
	s10 =	smov.u32 s16  }
.LBB1_1:
0x1e: {  	p1 =	sge.u32 s11, s5  }
0x1f: {  	s14 =	sand.u32 @!p1 $0x1FFFFFF, s9  }
0x20: {  	s15 =	smulhi.u32 @!p1 $0x147AE15, s14;
	_ =	sdelay $0x1  }
0x21: {  	s15 =	smul.u32 @!p1 $0xC8, s15  }
0x22: {  	s16 =	sxor.u32 @!p1 $0xFFFFFFFF, s11;
	s17 =	smul.u32 @!p1 $0xC80, s10  }
0x23: {  	s31 =	sadd.s32 $0xFFFFFFFF, s11;
	s16 =	sshll.u32 @!p1 s16, $0xD;
	s14 =	ssub.s32 @!p1 s14, s15  }
0x24: {  	s15 =	sand.u32 @!p1 $0x2000, s16;
	s16 =	sadd.s32 @!p1 s6, s17;
	s14 =	sshll.u32 @!p1 s14, $0x4  }
0x25: {  	s17 =	simm.s32 @!p1 $0x6400;
	s14 =	sadd.s32 @!p1 s14, s16;
	s16 =	simm.s32 @!p1 $0x40  }
0x26: {  	[tilespmem:s15], [sflag:$0x1] =	stream.strided.gather @!p1 [hbm4b:s14+s16], $0x2000, s17, s16, $0x38;
	[tilespmem:$0x8080] =	vst v63  }
0x27: {  	p1 =	sge.u32 s31, s5  }
.Ltmp2:
0x28: {  	_ = 	snop;
	(pc) =	sbr.rel @p1 .LBB1_5-.Ltmp2, $1  }
0x29: {  	_ =	sdelay $0x3  }
0x2a: {  	s14 =	simm.s32 $0x1  }
0x2b: {  	_ =	swait.ge [sflag:s4], $0x2000;
	s14 =	simm.s32 @!p0 $0x0  }
0x2c: {  	[sflag:s4] =	ssyncset.done $0x0;
	s15 =	sshll.u32 s14, $0xD  }
0x2d: {  	[sflag:s4] =	ssyncadd.s32 $0xFFFFE000;
	s18 =	sor.u32 $0x20, s15  }
0x2e: {  	s14 =	smul.u32 $0x8100, s14;
	v3 =	vld [tilespmem:s18+$0x10]  }
0x2f: {  	s30 =	sand.u32 $0x1, s11;
	v2 =	vld [tilespmem:s18+$0xFFFFFFF0]  }
0x30: {  	s15 =	smul.u32 $0x8100, s30;
	s14 =	sshrl.u32 s14, $0x2;
	v0 =	vld [tilespmem:s18+$0x0]  }
0x31: {  	v1 =	vld [tilespmem:s18+$0xFFFFFFE0];
	s16 =	sor.u32 $0x4000, s14  }
0x32: {  	s31 =	sshrl.u32 s15, $0x2;
	s15 =	sadd.s32 $0x0, s16  }
0x33: {  	s17 =	simm.s32 $0x4;
	s18 =	sadd.s32 $0x40, s18;
	s14 =	sor.u32 $0x4000, s31;
	[tilespmem:s15+$0x1830 ss:$0x81] =	vst.msk $0xffff, v3  }
.LBB1_3:
0x34: {  	v3 =	vld [tilespmem:s18+$0x10];
	p1 =	sne.s32 s17, $0x1FC;
	[tilespmem:s15+$0x810 ss:$0x81] =	vst.msk $0xffff, v2;
	s19 =	smov.u32 s17;
	s17 =	sadd.s32 $0x4, s17  }
.Ltmp3:
0x35: {  	v2 =	vld [tilespmem:s18+$0xFFFFFFF0];
	[tilespmem:s15+$0x1020 ss:$0x81] =	vst.msk $0xffff, v0;
	(pc) =	sbr.rel @p1 .LBB1_3-.Ltmp3, $4  }
0x36: {  	v0 =	vld [tilespmem:s18+$0x0];
	[tilespmem:s15+$0x0 ss:$0x81] =	vst.msk $0xffff, v1  }
0x37: {  	s15 =	sshra.s32 s19, $0x2;
	v1 =	vld [tilespmem:s18+$0xFFFFFFE0]  }
0x38: {  	s15 =	sadd.s32 s15, s16  }
0x39: {  	s18 =	sadd.s32 $0x40, s18;
	[tilespmem:s15+$0x1830 ss:$0x81] =	vst.msk $0xffff, v3  }
.Ltmp4:
0x3a: {  	_ = 	snop;
	(pc) =	sbr.rel .LBB1_4-.Ltmp4, $1  }
0x3b: {  	_ =	sdelay $0x3  }
.LBB1_6:
0x3c: {  	_ =	sfence.sel $0x180000  }
0x3d: {  	s2 =	simm.s32 $0x1;
	[bflag:$0x0] =	sbarrier.arrive $0xFFFF  }
0x3e: {  	s31 =	simm.s32 $0x2;
	[sflag:s2] =	ssyncpa.u1 $0x1  }
0x3f: {  	[sflag:s31] =	ssyncpa.u1 $0x1  }
0x40: {  	p0 =	sne.s32 s0, $0x0;
	_ =	strace $0x9000004A  }
0x41: {  	s0 =	sadd.s32 @!p0 $0x100000, s1;
	[bflag:$0x2] =	sbarrier.arrive $0xFFFF  }
0x42: {  	[sflag:s0] =	ssyncadd.tile.s32 @!p0 $0x1;
	_ =	shalt  }
.Lfunc_end1:
_tile_overlayer_lowered:
.L_overlay_start_2:
0x43: {  	(tag) =	ssettag $0x2  }
0x44: {  	s0 =	rddreg [dreg:$0x0];
	s2 =	stileid.u32  }
0x45: {  	s1 =	rddreg [dreg:$0x1];
	p0 =	sne.s32 s2, $0x0  }
0x46: {  	s3 =	rddreg [dreg:$0x2];
	[bflag:$0x3] =	sbarrier.arrive $0xFFFF;
	s2 =	simm.s32 @!p0 $0x1C01  }
0x47: {  	[timem:s3], [sflag:s2] =	dma.local @!p0 [hbm:s0], s1  }
0x48: {  	s0 =	simm.s32 @!p0 $0x1  }
0x49: {  	_ =	swait.ge @!p0 [sflag:s0], s1  }
0x4a: {  	s1 =	ssub.s32 @!p0 $0x0, s1;
	[sflag:s0] =	ssyncset.done @!p0 $0x0  }
0x4b: {  	[sflag:s0] =	ssyncadd.s32 @!p0 s1  }
0x4c: {  	[bflag:$0x3] =	sbarrier.arrive $0xFFFF  }
0x4d: {  	_ =	shalt  }

</sc_bundles>
